<compile_context>
chip_gen: v7x
topology: tpu7x:2x2x1
jax: 0.10.2.dev20260603
libtpu: 0.0.44.dev20260713+nightly
codegen_flags: <defaults>
</compile_context>

<pallas_src>
import functools

import jax
import jax.numpy as jnp
import numpy as np
from jax import lax
from jax.experimental import pallas as pl
from jax.experimental.pallas import tpu as pltpu
from jax.experimental.pallas import tpu_sc as plsc

D = 128
B = 56
NBUF = 5
NC = 2
NS = 16
NW = NC * NS


def _sc_scatter_gather(n_nodes, n_edges, nblk):
  p_rows = -(-(n_nodes + 1) // (8 * NS)) * (8 * NS)
  rows_per_tile = p_rows // NS
  epw = nblk * B
  e = n_edges
  w_str = e // epw
  assert w_str >= 1 and (e - w_str * epw) % 8 == 0 and e % 8 == 0

  mesh = plsc.VectorSubcoreMesh(core_axis_name="c", subcore_axis_name="s")

  @functools.partial(
      pl.kernel,
      mesh=mesh,
      compiler_params=pltpu.CompilerParams(use_tc_tiling_on_sc=False),
      out_type=jax.ShapeDtypeStruct((NC, p_rows, D), jnp.float32),
      scratch_types=[
          pltpu.VMEM_SHARED((p_rows, D), jnp.float32),
          pltpu.VMEM((epw,), jnp.int32),
      ] + [pltpu.VMEM((B,), jnp.int32) for _ in range(NBUF)]
        + [pltpu.VMEM((B, D), jnp.float32) for _ in range(NBUF)]
        + [pltpu.SemaphoreType.DMA] * (2 * NBUF),
  )
  def k(x_hbm, edge_hbm, rowpad_hbm, colpad_hbm, zero_hbm, out_hbm,
        accum, colb, *bufs_and_sems):
    rslots = bufs_and_sems[:NBUF]
    bufs = bufs_and_sems[NBUF:2 * NBUF]
    gsems = bufs_and_sems[2 * NBUF:3 * NBUF]
    rsems = bufs_and_sems[3 * NBUF:4 * NBUF]

    c = lax.axis_index("c")
    s = lax.axis_index("s")
    wid = c * NS + s
    e0 = wid * epw

    @pl.when(wid < w_str)
    def _():
      pltpu.sync_copy(edge_hbm.at[1, pl.ds(e0, epw)], colb)

    for w in range(w_str, NW):
      @pl.when(wid == w)
      def _(w=w):
        ms = min(max(e - w * epw, 0), epw)
        if ms:
          pltpu.sync_copy(edge_hbm.at[1, pl.ds(w * epw, ms)],
                          colb.at[pl.ds(0, ms)])
        po = w * epw + ms - e
        pltpu.sync_copy(colpad_hbm.at[pl.ds(po, epw - ms)],
                        colb.at[pl.ds(ms, epw - ms)])

    def stage_rows(g, slot, sem):
      start = e0 + g * B
      rem = e % B

      @pl.when(start + B <= e)
      def _():
        pltpu.async_copy(edge_hbm.at[0, pl.ds(start, B)], slot, sem)

      @pl.when(start >= e)
      def _():
        pltpu.async_copy(rowpad_hbm.at[pl.ds(start - e, B)], slot, sem)

      if rem:
        @pl.when(jnp.logical_and(start < e, start + B > e))
        def _():
          pltpu.async_copy(edge_hbm.at[0, pl.ds(e - rem, rem)],
                           slot.at[pl.ds(0, rem)], sem)
          pltpu.async_copy(rowpad_hbm.at[pl.ds(0, B - rem)],
                           slot.at[pl.ds(rem, B - rem)], sem)

    for b in range(NBUF):
      stage_rows(b, rslots[b], rsems[b])
      pltpu.async_copy(x_hbm.at[colb.at[pl.ds(b * B, B)]], bufs[b], gsems[b])

    r0 = s * rows_per_tile
    pltpu.sync_copy(zero_hbm, accum.at[pl.ds(r0, rows_per_tile)])

    plsc.subcore_barrier()

    def body(i, carry):
      for b in range(NBUF):
        g = i * NBUF + b
        pltpu.make_async_copy(
            x_hbm.at[colb.at[pl.ds(g * B, B)]], bufs[b], gsems[b]).wait()
        pltpu.make_async_copy(
            rowpad_hbm.at[pl.ds(0, B)], rslots[b], rsems[b]).wait()
        pltpu.sync_copy(bufs[b], accum.at[rslots[b]], add=True)

        @pl.when(g + NBUF < nblk)
        def _():
          g2 = g + NBUF
          stage_rows(g2, rslots[b], rsems[b])
          pltpu.async_copy(
              x_hbm.at[colb.at[pl.ds(g2 * B, B)]], bufs[b], gsems[b])
      return carry

    lax.fori_loop(0, nblk // NBUF, body, 0, unroll=False)

    plsc.subcore_barrier()

    pltpu.sync_copy(accum.at[pl.ds(r0, rows_per_tile)],
                    out_hbm.at[c, pl.ds(r0, rows_per_tile)])

  return k, p_rows


def _tc_combine(partials, n_nodes):
  blk = 2000

  def add_k(p_ref, o_ref):
    o_ref[...] = p_ref[0] + p_ref[1]

  return pl.pallas_call(
      add_k,
      grid=(n_nodes // blk,),
      in_specs=[pl.BlockSpec((2, blk, D), lambda i: (0, i, 0))],
      out_specs=pl.BlockSpec((blk, D), lambda i: (i, 0)),
      out_shape=jax.ShapeDtypeStruct((n_nodes, D), jnp.float32),
  )(partials)


@jax.jit
def kernel(x, edge_index):
  n_nodes = x.shape[0]
  e = edge_index.shape[1]
  edge32 = edge_index.astype(jnp.int32)

  nblk = -(-e // (NW * B))
  nblk = -(-nblk // NBUF) * NBUF
  e_pad = NW * nblk * B
  pad = e_pad - e
  p_rows = -(-(n_nodes + 1) // (8 * NS)) * (8 * NS)
  pad_idx = np.arange(max(pad, 1), dtype=np.int32)
  row_pad = jnp.asarray(n_nodes + pad_idx % (p_rows - n_nodes))
  col_pad = jnp.asarray(pad_idx % n_nodes)

  sc_k, p_rows2 = _sc_scatter_gather(n_nodes, e, nblk)
  assert p_rows2 == p_rows
  zeros = jnp.zeros((p_rows // NS, D), jnp.float32)
  partials = sc_k(x, edge32, row_pad, col_pad, zeros)
  return _tc_combine(partials, n_nodes)

# --- scband reference (transcript-rebuilt; emitter-appended) ---
"""Pipeline reference for scband-message-passing-463856468618 (READ-ONLY COPY).

The authoritative reference and input builder live on the scoring server;
editing this copy changes nothing except your own understanding.
"""

import jax, jax.numpy as jnp
import numpy as np

N_NODES = 10000
N_EDGES = 320000
D_FEAT = 128


def setup_inputs(seed: int = 0) -> dict:
    key = jax.random.key(seed)
    k1, k2 = jax.random.split(key)
    x = jax.random.normal(k1, (N_NODES, D_FEAT), dtype=jnp.float32)
    edge_index = jax.random.randint(k2, (2, N_EDGES), 0, N_NODES, dtype=jnp.int64)
    return {"x": x, "edge_index": edge_index}


def reference(x, edge_index):
    # Faithful translation of MessagePassing.propagate with x=(x, x) and the
    # standard default message(x_j) = x_j (PyG base-class default), aggr='add'.
    row = edge_index[0]
    col = edge_index[1]
    # message: x_j = x[col] (source-node features gathered per edge)
    messages = jnp.take(x, col, axis=0)
    # aggregate: scatter-add messages into destination rows (index = row)
    aggr_out = jnp.zeros((x.shape[0], messages.shape[-1]), dtype=messages.dtype)
    aggr_out = aggr_out.at[row].add(messages)
    # update: identity
    return aggr_out

if __name__ == "__main__":
    import jax
    _d = setup_inputs()
    print(jax.jit(kernel)(*tuple(_d.values())))

</pallas_src>

<mosaic_0001>
#map = affine_map<(d0, d1) -> (0, 0)>
#map1 = affine_map<(d0, d1) -> (0)>
#map2 = affine_map<(d0, d1) -> (0, 0, 0)>
module attributes {stable_mosaic.version = 14 : i64} {
  func.func @k(%arg0: i32, %arg1: i32, %arg2: memref<10000x128xf32, #tpu.memory_space<hbm>>, %arg3: memref<2x320000xi32, #tpu.memory_space<hbm>>, %arg4: memref<2560xi32, #tpu.memory_space<hbm>>, %arg5: memref<2560xi32, #tpu.memory_space<hbm>>, %arg6: memref<632x128xf32, #tpu.memory_space<hbm>>, %arg7: memref<2x10112x128xf32, #tpu.memory_space<hbm>>, %arg8: memref<10112x128xf32, #tpu.memory_space<vmem_shared>>, %arg9: memref<10080xi32, #tpu.memory_space<vmem>>, %arg10: memref<56xi32, #tpu.memory_space<vmem>>, %arg11: memref<56xi32, #tpu.memory_space<vmem>>, %arg12: memref<56xi32, #tpu.memory_space<vmem>>, %arg13: memref<56xi32, #tpu.memory_space<vmem>>, %arg14: memref<56xi32, #tpu.memory_space<vmem>>, %arg15: memref<56x128xf32, #tpu.memory_space<vmem>>, %arg16: memref<56x128xf32, #tpu.memory_space<vmem>>, %arg17: memref<56x128xf32, #tpu.memory_space<vmem>>, %arg18: memref<56x128xf32, #tpu.memory_space<vmem>>, %arg19: memref<56x128xf32, #tpu.memory_space<vmem>>, %arg20: memref<!tpu.dma_semaphore, #tpu.memory_space<semaphore_mem>>, %arg21: memref<!tpu.dma_semaphore, #tpu.memory_space<semaphore_mem>>, %arg22: memref<!tpu.dma_semaphore, #tpu.memory_space<semaphore_mem>>, %arg23: memref<!tpu.dma_semaphore, #tpu.memory_space<semaphore_mem>>, %arg24: memref<!tpu.dma_semaphore, #tpu.memory_space<semaphore_mem>>, %arg25: memref<!tpu.dma_semaphore, #tpu.memory_space<semaphore_mem>>, %arg26: memref<!tpu.dma_semaphore, #tpu.memory_space<semaphore_mem>>, %arg27: memref<!tpu.dma_semaphore, #tpu.memory_space<semaphore_mem>>, %arg28: memref<!tpu.dma_semaphore, #tpu.memory_space<semaphore_mem>>, %arg29: memref<!tpu.dma_semaphore, #tpu.memory_space<semaphore_mem>>) attributes {dimension_semantics = [#tpu.dimension_semantics<core_parallel>, #tpu.dimension_semantics<subcore_parallel>], iteration_bounds = array<i64: 2, 16>, scalar_prefetch = 0 : i64, scratch_operands = 22 : i64, tpu.core_type = #tpu.core_type<sc_vector_subcore>, window_params = [{transform_indices = #map}, {transform_indices = #map}, {transform_indices = #map1}, {transform_indices = #map1}, {transform_indices = #map}, {transform_indices = #map2}]} {
    %mul3A = arith.constant 16 : i32
    %mul3A_0 = arith.muli %arg0, %mul3A : i32
    %add3A = arith.addi %mul3A_0, %arg1 : i32
    %mul3A_1 = arith.constant 10080 : i32
    %mul3A_2 = arith.muli %add3A, %mul3A_1 : i32
    %lt3A = arith.constant 31 : i32
    %lt3A_3 = arith.cmpi slt, %add3A, %lt3A : i32
    %convert_element_type3A = arith.extui %lt3A_3 : i1 to i32
    %cond3A = arith.constant 0 : i32
    %cond3A_4 = arith.cmpi ne, %convert_element_type3A, %cond3A : i32
    scf.if %cond3A_4 {
      %run_scoped3A = arith.constant 1 : i32
      "tpu.region"() ({
        %run_scoped3A_157 = tpu.sem_alloc : memref<!tpu.dma_semaphore, #tpu.memory_space<semaphore_mem>>
        %dma_start3A_158 = tpu.memref_slice %arg3[%run_scoped3A, %mul3A_2] : memref<2x320000xi32, #tpu.memory_space<hbm>> -> memref<1x10080xi32, #tpu.memory_space<hbm>>
        %dma_start3A_159 = tpu.memref_squeeze %dma_start3A_158 : memref<1x10080xi32, #tpu.memory_space<hbm>> -> memref<10080xi32, #tpu.memory_space<hbm>>
        %dma_start3A_160 = tpu.memref_slice %arg3[%run_scoped3A, %mul3A_2] : memref<2x320000xi32, #tpu.memory_space<hbm>> -> memref<1x10080xi32, #tpu.memory_space<hbm>>
        %dma_start3A_161 = tpu.memref_squeeze %dma_start3A_160 : memref<1x10080xi32, #tpu.memory_space<hbm>> -> memref<10080xi32, #tpu.memory_space<hbm>>
        tpu.enqueue_dma source(%dma_start3A_161 : memref<10080xi32, #tpu.memory_space<hbm>>) target(%arg9 : memref<10080xi32, #tpu.memory_space<vmem>>) target_semaphore(%run_scoped3A_157 : memref<!tpu.dma_semaphore, #tpu.memory_space<semaphore_mem>>)
        %dma_wait3A = tpu.memref_slice %arg3[%run_scoped3A, %mul3A_2] : memref<2x320000xi32, #tpu.memory_space<hbm>> -> memref<1x10080xi32, #tpu.memory_space<hbm>>
        %dma_wait3A_162 = tpu.memref_squeeze %dma_wait3A : memref<1x10080xi32, #tpu.memory_space<hbm>> -> memref<10080xi32, #tpu.memory_space<hbm>>
        %dma_wait3A_163 = tpu.memref_slice %arg3[%run_scoped3A, %mul3A_2] : memref<2x320000xi32, #tpu.memory_space<hbm>> -> memref<1x10080xi32, #tpu.memory_space<hbm>>
        %dma_wait3A_164 = tpu.memref_squeeze %dma_wait3A_163 : memref<1x10080xi32, #tpu.memory_space<hbm>> -> memref<10080xi32, #tpu.memory_space<hbm>>
        tpu.wait_dma2 semaphore(%run_scoped3A_157 : memref<!tpu.dma_semaphore, #tpu.memory_space<semaphore_mem>>) src(%dma_wait3A_164 : memref<10080xi32, #tpu.memory_space<hbm>>) dst(%arg9 : memref<10080xi32, #tpu.memory_space<vmem>>)
        tpu.yield
      }) : () -> ()
    } else {
    }
    %eq3A = arith.constant 31 : i32
    %eq3A_5 = arith.cmpi eq, %add3A, %eq3A : i32
    %convert_element_type3A_6 = arith.extui %eq3A_5 : i1 to i32
    %cond3A_7 = arith.constant 0 : i32
    %cond3A_8 = arith.cmpi ne, %convert_element_type3A_6, %cond3A_7 : i32
    scf.if %cond3A_8 {
      %run_scoped3A = arith.constant 1 : i32
      "tpu.region"() ({
        %run_scoped3A_157 = tpu.sem_alloc : memref<!tpu.dma_semaphore, #tpu.memory_space<semaphore_mem>>
        %dma_start3A_158 = arith.constant 0 : i32
        %dma_start3A_159 = tpu.memref_slice %arg9[%dma_start3A_158] : memref<10080xi32, #tpu.memory_space<vmem>> -> memref<7520xi32, #tpu.memory_space<vmem>>
        %dma_start3A_160 = arith.constant 312480 : i32
        %dma_start3A_161 = tpu.memref_slice %arg3[%run_scoped3A, %dma_start3A_160] : memref<2x320000xi32, #tpu.memory_space<hbm>> -> memref<1x7520xi32, #tpu.memory_space<hbm>>
        %dma_start3A_162 = tpu.memref_squeeze %dma_start3A_161 : memref<1x7520xi32, #tpu.memory_space<hbm>> -> memref<7520xi32, #tpu.memory_space<hbm>>
        %dma_start3A_163 = arith.constant 0 : i32
        %dma_start3A_164 = tpu.memref_slice %arg9[%dma_start3A_163] : memref<10080xi32, #tpu.memory_space<vmem>> -> memref<7520xi32, #tpu.memory_space<vmem>>
        %dma_start3A_165 = arith.constant 312480 : i32
        %dma_start3A_166 = tpu.memref_slice %arg3[%run_scoped3A, %dma_start3A_165] : memref<2x320000xi32, #tpu.memory_space<hbm>> -> memref<1x7520xi32, #tpu.memory_space<hbm>>
        %dma_start3A_167 = tpu.memref_squeeze %dma_start3A_166 : memref<1x7520xi32, #tpu.memory_space<hbm>> -> memref<7520xi32, #tpu.memory_space<hbm>>
        tpu.enqueue_dma source(%dma_start3A_167 : memref<7520xi32, #tpu.memory_space<hbm>>) target(%dma_start3A_164 : memref<7520xi32, #tpu.memory_space<vmem>>) target_semaphore(%run_scoped3A_157 : memref<!tpu.dma_semaphore, #tpu.memory_space<semaphore_mem>>)
        %dma_wait3A = arith.constant 0 : i32
        %dma_wait3A_168 = tpu.memref_slice %arg9[%dma_wait3A] : memref<10080xi32, #tpu.memory_space<vmem>> -> memref<7520xi32, #tpu.memory_space<vmem>>
        %dma_wait3A_169 = arith.constant 312480 : i32
        %dma_wait3A_170 = tpu.memref_slice %arg3[%run_scoped3A, %dma_wait3A_169] : memref<2x320000xi32, #tpu.memory_space<hbm>> -> memref<1x7520xi32, #tpu.memory_space<hbm>>
        %dma_wait3A_171 = tpu.memref_squeeze %dma_wait3A_170 : memref<1x7520xi32, #tpu.memory_space<hbm>> -> memref<7520xi32, #tpu.memory_space<hbm>>
        %dma_wait3A_172 = arith.constant 0 : i32
        %dma_wait3A_173 = tpu.memref_slice %arg9[%dma_wait3A_172] : memref<10080xi32, #tpu.memory_space<vmem>> -> memref<7520xi32, #tpu.memory_space<vmem>>
        %dma_wait3A_174 = arith.constant 312480 : i32
        %dma_wait3A_175 = tpu.memref_slice %arg3[%run_scoped3A, %dma_wait3A_174] : memref<2x320000xi32, #tpu.memory_space<hbm>> -> memref<1x7520xi32, #tpu.memory_space<hbm>>
        %dma_wait3A_176 = tpu.memref_squeeze %dma_wait3A_175 : memref<1x7520xi32, #tpu.memory_space<hbm>> -> memref<7520xi32, #tpu.memory_space<hbm>>
        tpu.wait_dma2 semaphore(%run_scoped3A_157 : memref<!tpu.dma_semaphore, #tpu.memory_space<semaphore_mem>>) src(%dma_wait3A_176 : memref<7520xi32, #tpu.memory_space<hbm>>) dst(%dma_wait3A_173 : memref<7520xi32, #tpu.memory_space<vmem>>)
        tpu.yield
      }) : () -> ()
      "tpu.region"() ({
        %run_scoped3A_157 = tpu.sem_alloc : memref<!tpu.dma_semaphore, #tpu.memory_space<semaphore_mem>>
        %dma_start3A_158 = arith.constant 7520 : i32
        %dma_start3A_159 = tpu.memref_slice %arg9[%dma_start3A_158] : memref<10080xi32, #tpu.memory_space<vmem>> -> memref<2560xi32, #tpu.memory_space<vmem>>
        %dma_start3A_160 = arith.constant 0 : i32
        %dma_start3A_161 = tpu.memref_slice %arg5[%dma_start3A_160] : memref<2560xi32, #tpu.memory_space<hbm>> -> memref<2560xi32, #tpu.memory_space<hbm>>
        %dma_start3A_162 = arith.constant 7520 : i32
        %dma_start3A_163 = tpu.memref_slice %arg9[%dma_start3A_162] : memref<10080xi32, #tpu.memory_space<vmem>> -> memref<2560xi32, #tpu.memory_space<vmem>>
        %dma_start3A_164 = arith.constant 0 : i32
        %dma_start3A_165 = tpu.memref_slice %arg5[%dma_start3A_164] : memref<2560xi32, #tpu.memory_space<hbm>> -> memref<2560xi32, #tpu.memory_space<hbm>>
        tpu.enqueue_dma source(%dma_start3A_165 : memref<2560xi32, #tpu.memory_space<hbm>>) target(%dma_start3A_163 : memref<2560xi32, #tpu.memory_space<vmem>>) target_semaphore(%run_scoped3A_157 : memref<!tpu.dma_semaphore, #tpu.memory_space<semaphore_mem>>)
        %dma_wait3A = arith.constant 7520 : i32
        %dma_wait3A_166 = tpu.memref_slice %arg9[%dma_wait3A] : memref<10080xi32, #tpu.memory_space<vmem>> -> memref<2560xi32, #tpu.memory_space<vmem>>
        %dma_wait3A_167 = arith.constant 0 : i32
        %dma_wait3A_168 = tpu.memref_slice %arg5[%dma_wait3A_167] : memref<2560xi32, #tpu.memory_space<hbm>> -> memref<2560xi32, #tpu.memory_space<hbm>>
        %dma_wait3A_169 = arith.constant 7520 : i32
        %dma_wait3A_170 = tpu.memref_slice %arg9[%dma_wait3A_169] : memref<10080xi32, #tpu.memory_space<vmem>> -> memref<2560xi32, #tpu.memory_space<vmem>>
        %dma_wait3A_171 = arith.constant 0 : i32
        %dma_wait3A_172 = tpu.memref_slice %arg5[%dma_wait3A_171] : memref<2560xi32, #tpu.memory_space<hbm>> -> memref<2560xi32, #tpu.memory_space<hbm>>
        tpu.wait_dma2 semaphore(%run_scoped3A_157 : memref<!tpu.dma_semaphore, #tpu.memory_space<semaphore_mem>>) src(%dma_wait3A_172 : memref<2560xi32, #tpu.memory_space<hbm>>) dst(%dma_wait3A_170 : memref<2560xi32, #tpu.memory_space<vmem>>)
        tpu.yield
      }) : () -> ()
    } else {
    }
    %add3A_9 = arith.constant 0 : i32
    %add3A_10 = arith.addi %mul3A_2, %add3A_9 : i32
    %add3A_11 = arith.constant 56 : i32
    %add3A_12 = arith.addi %add3A_10, %add3A_11 : i32
    %le3A = arith.constant 320000 : i32
    %le3A_13 = arith.cmpi sle, %add3A_12, %le3A : i32
    %convert_element_type3A_14 = arith.extui %le3A_13 : i1 to i32
    %cond3A_15 = arith.constant 0 : i32
    %cond3A_16 = arith.cmpi ne, %convert_element_type3A_14, %cond3A_15 : i32
    scf.if %cond3A_16 {
      %dma_start3A_157 = arith.constant 0 : i32
      %dma_start3A_158 = tpu.memref_slice %arg3[%dma_start3A_157, %add3A_10] : memref<2x320000xi32, #tpu.memory_space<hbm>> -> memref<1x56xi32, #tpu.memory_space<hbm>>
      %dma_start3A_159 = tpu.memref_squeeze %dma_start3A_158 : memref<1x56xi32, #tpu.memory_space<hbm>> -> memref<56xi32, #tpu.memory_space<hbm>>
      %dma_start3A_160 = tpu.memref_slice %arg3[%dma_start3A_157, %add3A_10] : memref<2x320000xi32, #tpu.memory_space<hbm>> -> memref<1x56xi32, #tpu.memory_space<hbm>>
      %dma_start3A_161 = tpu.memref_squeeze %dma_start3A_160 : memref<1x56xi32, #tpu.memory_space<hbm>> -> memref<56xi32, #tpu.memory_space<hbm>>
      tpu.enqueue_dma source(%dma_start3A_161 : memref<56xi32, #tpu.memory_space<hbm>>) target(%arg10 : memref<56xi32, #tpu.memory_space<vmem>>) target_semaphore(%arg25 : memref<!tpu.dma_semaphore, #tpu.memory_space<semaphore_mem>>)
    } else {
    }
    %ge3A = arith.constant 320000 : i32
    %ge3A_17 = arith.cmpi sge, %add3A_10, %ge3A : i32
    %convert_element_type3A_18 = arith.extui %ge3A_17 : i1 to i32
    %cond3A_19 = arith.constant 0 : i32
    %cond3A_20 = arith.cmpi ne, %convert_element_type3A_18, %cond3A_19 : i32
    scf.if %cond3A_20 {
      %sub3A = arith.constant 320000 : i32
      %sub3A_157 = arith.subi %add3A_10, %sub3A : i32
      %dma_start3A_158 = tpu.memref_slice %arg4[%sub3A_157] : memref<2560xi32, #tpu.memory_space<hbm>> -> memref<56xi32, #tpu.memory_space<hbm>>
      %dma_start3A_159 = tpu.memref_slice %arg4[%sub3A_157] : memref<2560xi32, #tpu.memory_space<hbm>> -> memref<56xi32, #tpu.memory_space<hbm>>
      tpu.enqueue_dma source(%dma_start3A_159 : memref<56xi32, #tpu.memory_space<hbm>>) target(%arg10 : memref<56xi32, #tpu.memory_space<vmem>>) target_semaphore(%arg25 : memref<!tpu.dma_semaphore, #tpu.memory_space<semaphore_mem>>)
    } else {
    }
    %lt3A_21 = arith.constant 320000 : i32
    %lt3A_22 = arith.cmpi slt, %add3A_10, %lt3A_21 : i32
    %add3A_23 = arith.constant 56 : i32
    %add3A_24 = arith.addi %add3A_10, %add3A_23 : i32
    %gt3A = arith.constant 320000 : i32
    %gt3A_25 = arith.cmpi sgt, %add3A_24, %gt3A : i32
    %and3A = arith.andi %lt3A_22, %gt3A_25 : i1
    %convert_element_type3A_26 = arith.extui %and3A : i1 to i32
    %cond3A_27 = arith.constant 0 : i32
    %cond3A_28 = arith.cmpi ne, %convert_element_type3A_26, %cond3A_27 : i32
    scf.if %cond3A_28 {
      %dma_start3A_157 = arith.constant 0 : i32
      %dma_start3A_158 = arith.constant 0 : i32
      %dma_start3A_159 = tpu.memref_slice %arg10[%dma_start3A_158] : memref<56xi32, #tpu.memory_space<vmem>> -> memref<16xi32, #tpu.memory_space<vmem>>
      %dma_start3A_160 = arith.constant 319984 : i32
      %dma_start3A_161 = tpu.memref_slice %arg3[%dma_start3A_157, %dma_start3A_160] : memref<2x320000xi32, #tpu.memory_space<hbm>> -> memref<1x16xi32, #tpu.memory_space<hbm>>
      %dma_start3A_162 = tpu.memref_squeeze %dma_start3A_161 : memref<1x16xi32, #tpu.memory_space<hbm>> -> memref<16xi32, #tpu.memory_space<hbm>>
      %dma_start3A_163 = arith.constant 0 : i32
      %dma_start3A_164 = tpu.memref_slice %arg10[%dma_start3A_163] : memref<56xi32, #tpu.memory_space<vmem>> -> memref<16xi32, #tpu.memory_space<vmem>>
      %dma_start3A_165 = arith.constant 319984 : i32
      %dma_start3A_166 = tpu.memref_slice %arg3[%dma_start3A_157, %dma_start3A_165] : memref<2x320000xi32, #tpu.memory_space<hbm>> -> memref<1x16xi32, #tpu.memory_space<hbm>>
      %dma_start3A_167 = tpu.memref_squeeze %dma_start3A_166 : memref<1x16xi32, #tpu.memory_space<hbm>> -> memref<16xi32, #tpu.memory_space<hbm>>
      tpu.enqueue_dma source(%dma_start3A_167 : memref<16xi32, #tpu.memory_space<hbm>>) target(%dma_start3A_164 : memref<16xi32, #tpu.memory_space<vmem>>) target_semaphore(%arg25 : memref<!tpu.dma_semaphore, #tpu.memory_space<semaphore_mem>>)
      %dma_start3A_168 = arith.constant 16 : i32
      %dma_start3A_169 = tpu.memref_slice %arg10[%dma_start3A_168] : memref<56xi32, #tpu.memory_space<vmem>> -> memref<40xi32, #tpu.memory_space<vmem>>
      %dma_start3A_170 = arith.constant 0 : i32
      %dma_start3A_171 = tpu.memref_slice %arg4[%dma_start3A_170] : memref<2560xi32, #tpu.memory_space<hbm>> -> memref<40xi32, #tpu.memory_space<hbm>>
      %dma_start3A_172 = arith.constant 16 : i32
      %dma_start3A_173 = tpu.memref_slice %arg10[%dma_start3A_172] : memref<56xi32, #tpu.memory_space<vmem>> -> memref<40xi32, #tpu.memory_space<vmem>>
      %dma_start3A_174 = arith.constant 0 : i32
      %dma_start3A_175 = tpu.memref_slice %arg4[%dma_start3A_174] : memref<2560xi32, #tpu.memory_space<hbm>> -> memref<40xi32, #tpu.memory_space<hbm>>
      tpu.enqueue_dma source(%dma_start3A_175 : memref<40xi32, #tpu.memory_space<hbm>>) target(%dma_start3A_173 : memref<40xi32, #tpu.memory_space<vmem>>) target_semaphore(%arg25 : memref<!tpu.dma_semaphore, #tpu.memory_space<semaphore_mem>>)
    } else {
    }
    %dma_start3A = arith.constant 0 : i32
    %dma_start3A_29 = tpu.memref_slice %arg9[%dma_start3A] : memref<10080xi32, #tpu.memory_space<vmem>> -> memref<56xi32, #tpu.memory_space<vmem>>
    %dma_start3A_30 = arith.constant 0 : i32
    %dma_start3A_31 = arith.constant 0 : i32
    %dma_start3A_32 = tpu.memref_slice %arg2[%dma_start3A_30, %dma_start3A_31] : memref<10000x128xf32, #tpu.memory_space<hbm>> -> memref<10000x128xf32, #tpu.memory_space<hbm>>
    tpu.enqueue_indirect_dma source(%dma_start3A_32 : memref<10000x128xf32, #tpu.memory_space<hbm>>) target(%arg15 : memref<56x128xf32, #tpu.memory_space<vmem>>) offsets(%dma_start3A_29 : memref<56xi32, #tpu.memory_space<vmem>>) semaphore(%arg20 : memref<!tpu.dma_semaphore, #tpu.memory_space<semaphore_mem>>)
    %add3A_33 = arith.constant 56 : i32
    %add3A_34 = arith.addi %mul3A_2, %add3A_33 : i32
    %add3A_35 = arith.constant 56 : i32
    %add3A_36 = arith.addi %add3A_34, %add3A_35 : i32
    %le3A_37 = arith.constant 320000 : i32
    %le3A_38 = arith.cmpi sle, %add3A_36, %le3A_37 : i32
    %convert_element_type3A_39 = arith.extui %le3A_38 : i1 to i32
    %cond3A_40 = arith.constant 0 : i32
    %cond3A_41 = arith.cmpi ne, %convert_element_type3A_39, %cond3A_40 : i32
    scf.if %cond3A_41 {
      %dma_start3A_157 = arith.constant 0 : i32
      %dma_start3A_158 = tpu.memref_slice %arg3[%dma_start3A_157, %add3A_34] : memref<2x320000xi32, #tpu.memory_space<hbm>> -> memref<1x56xi32, #tpu.memory_space<hbm>>
      %dma_start3A_159 = tpu.memref_squeeze %dma_start3A_158 : memref<1x56xi32, #tpu.memory_space<hbm>> -> memref<56xi32, #tpu.memory_space<hbm>>
      %dma_start3A_160 = tpu.memref_slice %arg3[%dma_start3A_157, %add3A_34] : memref<2x320000xi32, #tpu.memory_space<hbm>> -> memref<1x56xi32, #tpu.memory_space<hbm>>
      %dma_start3A_161 = tpu.memref_squeeze %dma_start3A_160 : memref<1x56xi32, #tpu.memory_space<hbm>> -> memref<56xi32, #tpu.memory_space<hbm>>
      tpu.enqueue_dma source(%dma_start3A_161 : memref<56xi32, #tpu.memory_space<hbm>>) target(%arg11 : memref<56xi32, #tpu.memory_space<vmem>>) target_semaphore(%arg26 : memref<!tpu.dma_semaphore, #tpu.memory_space<semaphore_mem>>)
    } else {
    }
    %ge3A_42 = arith.constant 320000 : i32
    %ge3A_43 = arith.cmpi sge, %add3A_34, %ge3A_42 : i32
    %convert_element_type3A_44 = arith.extui %ge3A_43 : i1 to i32
    %cond3A_45 = arith.constant 0 : i32
    %cond3A_46 = arith.cmpi ne, %convert_element_type3A_44, %cond3A_45 : i32
    scf.if %cond3A_46 {
      %sub3A = arith.constant 320000 : i32
      %sub3A_157 = arith.subi %add3A_34, %sub3A : i32
      %dma_start3A_158 = tpu.memref_slice %arg4[%sub3A_157] : memref<2560xi32, #tpu.memory_space<hbm>> -> memref<56xi32, #tpu.memory_space<hbm>>
      %dma_start3A_159 = tpu.memref_slice %arg4[%sub3A_157] : memref<2560xi32, #tpu.memory_space<hbm>> -> memref<56xi32, #tpu.memory_space<hbm>>
      tpu.enqueue_dma source(%dma_start3A_159 : memref<56xi32, #tpu.memory_space<hbm>>) target(%arg11 : memref<56xi32, #tpu.memory_space<vmem>>) target_semaphore(%arg26 : memref<!tpu.dma_semaphore, #tpu.memory_space<semaphore_mem>>)
    } else {
    }
    %lt3A_47 = arith.constant 320000 : i32
    %lt3A_48 = arith.cmpi slt, %add3A_34, %lt3A_47 : i32
    %add3A_49 = arith.constant 56 : i32
    %add3A_50 = arith.addi %add3A_34, %add3A_49 : i32
    %gt3A_51 = arith.constant 320000 : i32
    %gt3A_52 = arith.cmpi sgt, %add3A_50, %gt3A_51 : i32
    %and3A_53 = arith.andi %lt3A_48, %gt3A_52 : i1
    %convert_element_type3A_54 = arith.extui %and3A_53 : i1 to i32
    %cond3A_55 = arith.constant 0 : i32
    %cond3A_56 = arith.cmpi ne, %convert_element_type3A_54, %cond3A_55 : i32
    scf.if %cond3A_56 {
      %dma_start3A_157 = arith.constant 0 : i32
      %dma_start3A_158 = arith.constant 0 : i32
      %dma_start3A_159 = tpu.memref_slice %arg11[%dma_start3A_158] : memref<56xi32, #tpu.memory_space<vmem>> -> memref<16xi32, #tpu.memory_space<vmem>>
      %dma_start3A_160 = arith.constant 319984 : i32
      %dma_start3A_161 = tpu.memref_slice %arg3[%dma_start3A_157, %dma_start3A_160] : memref<2x320000xi32, #tpu.memory_space<hbm>> -> memref<1x16xi32, #tpu.memory_space<hbm>>
      %dma_start3A_162 = tpu.memref_squeeze %dma_start3A_161 : memref<1x16xi32, #tpu.memory_space<hbm>> -> memref<16xi32, #tpu.memory_space<hbm>>
      %dma_start3A_163 = arith.constant 0 : i32
      %dma_start3A_164 = tpu.memref_slice %arg11[%dma_start3A_163] : memref<56xi32, #tpu.memory_space<vmem>> -> memref<16xi32, #tpu.memory_space<vmem>>
      %dma_start3A_165 = arith.constant 319984 : i32
      %dma_start3A_166 = tpu.memref_slice %arg3[%dma_start3A_157, %dma_start3A_165] : memref<2x320000xi32, #tpu.memory_space<hbm>> -> memref<1x16xi32, #tpu.memory_space<hbm>>
      %dma_start3A_167 = tpu.memref_squeeze %dma_start3A_166 : memref<1x16xi32, #tpu.memory_space<hbm>> -> memref<16xi32, #tpu.memory_space<hbm>>
      tpu.enqueue_dma source(%dma_start3A_167 : memref<16xi32, #tpu.memory_space<hbm>>) target(%dma_start3A_164 : memref<16xi32, #tpu.memory_space<vmem>>) target_semaphore(%arg26 : memref<!tpu.dma_semaphore, #tpu.memory_space<semaphore_mem>>)
      %dma_start3A_168 = arith.constant 16 : i32
      %dma_start3A_169 = tpu.memref_slice %arg11[%dma_start3A_168] : memref<56xi32, #tpu.memory_space<vmem>> -> memref<40xi32, #tpu.memory_space<vmem>>
      %dma_start3A_170 = arith.constant 0 : i32
      %dma_start3A_171 = tpu.memref_slice %arg4[%dma_start3A_170] : memref<2560xi32, #tpu.memory_space<hbm>> -> memref<40xi32, #tpu.memory_space<hbm>>
      %dma_start3A_172 = arith.constant 16 : i32
      %dma_start3A_173 = tpu.memref_slice %arg11[%dma_start3A_172] : memref<56xi32, #tpu.memory_space<vmem>> -> memref<40xi32, #tpu.memory_space<vmem>>
      %dma_start3A_174 = arith.constant 0 : i32
      %dma_start3A_175 = tpu.memref_slice %arg4[%dma_start3A_174] : memref<2560xi32, #tpu.memory_space<hbm>> -> memref<40xi32, #tpu.memory_space<hbm>>
      tpu.enqueue_dma source(%dma_start3A_175 : memref<40xi32, #tpu.memory_space<hbm>>) target(%dma_start3A_173 : memref<40xi32, #tpu.memory_space<vmem>>) target_semaphore(%arg26 : memref<!tpu.dma_semaphore, #tpu.memory_space<semaphore_mem>>)
    } else {
    }
    %dma_start3A_57 = arith.constant 56 : i32
    %dma_start3A_58 = tpu.memref_slice %arg9[%dma_start3A_57] : memref<10080xi32, #tpu.memory_space<vmem>> -> memref<56xi32, #tpu.memory_space<vmem>>
    %dma_start3A_59 = arith.constant 0 : i32
    %dma_start3A_60 = arith.constant 0 : i32
    %dma_start3A_61 = tpu.memref_slice %arg2[%dma_start3A_59, %dma_start3A_60] : memref<10000x128xf32, #tpu.memory_space<hbm>> -> memref<10000x128xf32, #tpu.memory_space<hbm>>
    tpu.enqueue_indirect_dma source(%dma_start3A_61 : memref<10000x128xf32, #tpu.memory_space<hbm>>) target(%arg16 : memref<56x128xf32, #tpu.memory_space<vmem>>) offsets(%dma_start3A_58 : memref<56xi32, #tpu.memory_space<vmem>>) semaphore(%arg21 : memref<!tpu.dma_semaphore, #tpu.memory_space<semaphore_mem>>)
    %add3A_62 = arith.constant 112 : i32
    %add3A_63 = arith.addi %mul3A_2, %add3A_62 : i32
    %add3A_64 = arith.constant 56 : i32
    %add3A_65 = arith.addi %add3A_63, %add3A_64 : i32
    %le3A_66 = arith.constant 320000 : i32
    %le3A_67 = arith.cmpi sle, %add3A_65, %le3A_66 : i32
    %convert_element_type3A_68 = arith.extui %le3A_67 : i1 to i32
    %cond3A_69 = arith.constant 0 : i32
    %cond3A_70 = arith.cmpi ne, %convert_element_type3A_68, %cond3A_69 : i32
    scf.if %cond3A_70 {
      %dma_start3A_157 = arith.constant 0 : i32
      %dma_start3A_158 = tpu.memref_slice %arg3[%dma_start3A_157, %add3A_63] : memref<2x320000xi32, #tpu.memory_space<hbm>> -> memref<1x56xi32, #tpu.memory_space<hbm>>
      %dma_start3A_159 = tpu.memref_squeeze %dma_start3A_158 : memref<1x56xi32, #tpu.memory_space<hbm>> -> memref<56xi32, #tpu.memory_space<hbm>>
      %dma_start3A_160 = tpu.memref_slice %arg3[%dma_start3A_157, %add3A_63] : memref<2x320000xi32, #tpu.memory_space<hbm>> -> memref<1x56xi32, #tpu.memory_space<hbm>>
      %dma_start3A_161 = tpu.memref_squeeze %dma_start3A_160 : memref<1x56xi32, #tpu.memory_space<hbm>> -> memref<56xi32, #tpu.memory_space<hbm>>
      tpu.enqueue_dma source(%dma_start3A_161 : memref<56xi32, #tpu.memory_space<hbm>>) target(%arg12 : memref<56xi32, #tpu.memory_space<vmem>>) target_semaphore(%arg27 : memref<!tpu.dma_semaphore, #tpu.memory_space<semaphore_mem>>)
    } else {
    }
    %ge3A_71 = arith.constant 320000 : i32
    %ge3A_72 = arith.cmpi sge, %add3A_63, %ge3A_71 : i32
    %convert_element_type3A_73 = arith.extui %ge3A_72 : i1 to i32
    %cond3A_74 = arith.constant 0 : i32
    %cond3A_75 = arith.cmpi ne, %convert_element_type3A_73, %cond3A_74 : i32
    scf.if %cond3A_75 {
      %sub3A = arith.constant 320000 : i32
      %sub3A_157 = arith.subi %add3A_63, %sub3A : i32
      %dma_start3A_158 = tpu.memref_slice %arg4[%sub3A_157] : memref<2560xi32, #tpu.memory_space<hbm>> -> memref<56xi32, #tpu.memory_space<hbm>>
      %dma_start3A_159 = tpu.memref_slice %arg4[%sub3A_157] : memref<2560xi32, #tpu.memory_space<hbm>> -> memref<56xi32, #tpu.memory_space<hbm>>
      tpu.enqueue_dma source(%dma_start3A_159 : memref<56xi32, #tpu.memory_space<hbm>>) target(%arg12 : memref<56xi32, #tpu.memory_space<vmem>>) target_semaphore(%arg27 : memref<!tpu.dma_semaphore, #tpu.memory_space<semaphore_mem>>)
    } else {
    }
    %lt3A_76 = arith.constant 320000 : i32
    %lt3A_77 = arith.cmpi slt, %add3A_63, %lt3A_76 : i32
    %add3A_78 = arith.constant 56 : i32
    %add3A_79 = arith.addi %add3A_63, %add3A_78 : i32
    %gt3A_80 = arith.constant 320000 : i32
    %gt3A_81 = arith.cmpi sgt, %add3A_79, %gt3A_80 : i32
    %and3A_82 = arith.andi %lt3A_77, %gt3A_81 : i1
    %convert_element_type3A_83 = arith.extui %and3A_82 : i1 to i32
    %cond3A_84 = arith.constant 0 : i32
    %cond3A_85 = arith.cmpi ne, %convert_element_type3A_83, %cond3A_84 : i32
    scf.if %cond3A_85 {
      %dma_start3A_157 = arith.constant 0 : i32
      %dma_start3A_158 = arith.constant 0 : i32
      %dma_start3A_159 = tpu.memref_slice %arg12[%dma_start3A_158] : memref<56xi32, #tpu.memory_space<vmem>> -> memref<16xi32, #tpu.memory_space<vmem>>
      %dma_start3A_160 = arith.constant 319984 : i32
      %dma_start3A_161 = tpu.memref_slice %arg3[%dma_start3A_157, %dma_start3A_160] : memref<2x320000xi32, #tpu.memory_space<hbm>> -> memref<1x16xi32, #tpu.memory_space<hbm>>
      %dma_start3A_162 = tpu.memref_squeeze %dma_start3A_161 : memref<1x16xi32, #tpu.memory_space<hbm>> -> memref<16xi32, #tpu.memory_space<hbm>>
      %dma_start3A_163 = arith.constant 0 : i32
      %dma_start3A_164 = tpu.memref_slice %arg12[%dma_start3A_163] : memref<56xi32, #tpu.memory_space<vmem>> -> memref<16xi32, #tpu.memory_space<vmem>>
      %dma_start3A_165 = arith.constant 319984 : i32
      %dma_start3A_166 = tpu.memref_slice %arg3[%dma_start3A_157, %dma_start3A_165] : memref<2x320000xi32, #tpu.memory_space<hbm>> -> memref<1x16xi32, #tpu.memory_space<hbm>>
      %dma_start3A_167 = tpu.memref_squeeze %dma_start3A_166 : memref<1x16xi32, #tpu.memory_space<hbm>> -> memref<16xi32, #tpu.memory_space<hbm>>
      tpu.enqueue_dma source(%dma_start3A_167 : memref<16xi32, #tpu.memory_space<hbm>>) target(%dma_start3A_164 : memref<16xi32, #tpu.memory_space<vmem>>) target_semaphore(%arg27 : memref<!tpu.dma_semaphore, #tpu.memory_space<semaphore_mem>>)
      %dma_start3A_168 = arith.constant 16 : i32
      %dma_start3A_169 = tpu.memref_slice %arg12[%dma_start3A_168] : memref<56xi32, #tpu.memory_space<vmem>> -> memref<40xi32, #tpu.memory_space<vmem>>
      %dma_start3A_170 = arith.constant 0 : i32
      %dma_start3A_171 = tpu.memref_slice %arg4[%dma_start3A_170] : memref<2560xi32, #tpu.memory_space<hbm>> -> memref<40xi32, #tpu.memory_space<hbm>>
      %dma_start3A_172 = arith.constant 16 : i32
      %dma_start3A_173 = tpu.memref_slice %arg12[%dma_start3A_172] : memref<56xi32, #tpu.memory_space<vmem>> -> memref<40xi32, #tpu.memory_space<vmem>>
      %dma_start3A_174 = arith.constant 0 : i32
      %dma_start3A_175 = tpu.memref_slice %arg4[%dma_start3A_174] : memref<2560xi32, #tpu.memory_space<hbm>> -> memref<40xi32, #tpu.memory_space<hbm>>
      tpu.enqueue_dma source(%dma_start3A_175 : memref<40xi32, #tpu.memory_space<hbm>>) target(%dma_start3A_173 : memref<40xi32, #tpu.memory_space<vmem>>) target_semaphore(%arg27 : memref<!tpu.dma_semaphore, #tpu.memory_space<semaphore_mem>>)
    } else {
    }
    %dma_start3A_86 = arith.constant 112 : i32
    %dma_start3A_87 = tpu.memref_slice %arg9[%dma_start3A_86] : memref<10080xi32, #tpu.memory_space<vmem>> -> memref<56xi32, #tpu.memory_space<vmem>>
    %dma_start3A_88 = arith.constant 0 : i32
    %dma_start3A_89 = arith.constant 0 : i32
    %dma_start3A_90 = tpu.memref_slice %arg2[%dma_start3A_88, %dma_start3A_89] : memref<10000x128xf32, #tpu.memory_space<hbm>> -> memref<10000x128xf32, #tpu.memory_space<hbm>>
    tpu.enqueue_indirect_dma source(%dma_start3A_90 : memref<10000x128xf32, #tpu.memory_space<hbm>>) target(%arg17 : memref<56x128xf32, #tpu.memory_space<vmem>>) offsets(%dma_start3A_87 : memref<56xi32, #tpu.memory_space<vmem>>) semaphore(%arg22 : memref<!tpu.dma_semaphore, #tpu.memory_space<semaphore_mem>>)
    %add3A_91 = arith.constant 168 : i32
    %add3A_92 = arith.addi %mul3A_2, %add3A_91 : i32
    %add3A_93 = arith.constant 56 : i32
    %add3A_94 = arith.addi %add3A_92, %add3A_93 : i32
    %le3A_95 = arith.constant 320000 : i32
    %le3A_96 = arith.cmpi sle, %add3A_94, %le3A_95 : i32
    %convert_element_type3A_97 = arith.extui %le3A_96 : i1 to i32
    %cond3A_98 = arith.constant 0 : i32
    %cond3A_99 = arith.cmpi ne, %convert_element_type3A_97, %cond3A_98 : i32
    scf.if %cond3A_99 {
      %dma_start3A_157 = arith.constant 0 : i32
      %dma_start3A_158 = tpu.memref_slice %arg3[%dma_start3A_157, %add3A_92] : memref<2x320000xi32, #tpu.memory_space<hbm>> -> memref<1x56xi32, #tpu.memory_space<hbm>>
      %dma_start3A_159 = tpu.memref_squeeze %dma_start3A_158 : memref<1x56xi32, #tpu.memory_space<hbm>> -> memref<56xi32, #tpu.memory_space<hbm>>
      %dma_start3A_160 = tpu.memref_slice %arg3[%dma_start3A_157, %add3A_92] : memref<2x320000xi32, #tpu.memory_space<hbm>> -> memref<1x56xi32, #tpu.memory_space<hbm>>
      %dma_start3A_161 = tpu.memref_squeeze %dma_start3A_160 : memref<1x56xi32, #tpu.memory_space<hbm>> -> memref<56xi32, #tpu.memory_space<hbm>>
      tpu.enqueue_dma source(%dma_start3A_161 : memref<56xi32, #tpu.memory_space<hbm>>) target(%arg13 : memref<56xi32, #tpu.memory_space<vmem>>) target_semaphore(%arg28 : memref<!tpu.dma_semaphore, #tpu.memory_space<semaphore_mem>>)
    } else {
    }
    %ge3A_100 = arith.constant 320000 : i32
    %ge3A_101 = arith.cmpi sge, %add3A_92, %ge3A_100 : i32
    %convert_element_type3A_102 = arith.extui %ge3A_101 : i1 to i32
    %cond3A_103 = arith.constant 0 : i32
    %cond3A_104 = arith.cmpi ne, %convert_element_type3A_102, %cond3A_103 : i32
    scf.if %cond3A_104 {
      %sub3A = arith.constant 320000 : i32
      %sub3A_157 = arith.subi %add3A_92, %sub3A : i32
      %dma_start3A_158 = tpu.memref_slice %arg4[%sub3A_157] : memref<2560xi32, #tpu.memory_space<hbm>> -> memref<56xi32, #tpu.memory_space<hbm>>
      %dma_start3A_159 = tpu.memref_slice %arg4[%sub3A_157] : memref<2560xi32, #tpu.memory_space<hbm>> -> memref<56xi32, #tpu.memory_space<hbm>>
      tpu.enqueue_dma source(%dma_start3A_159 : memref<56xi32, #tpu.memory_space<hbm>>) target(%arg13 : memref<56xi32, #tpu.memory_space<vmem>>) target_semaphore(%arg28 : memref<!tpu.dma_semaphore, #tpu.memory_space<semaphore_mem>>)
    } else {
    }
    %lt3A_105 = arith.constant 320000 : i32
    %lt3A_106 = arith.cmpi slt, %add3A_92, %lt3A_105 : i32
    %add3A_107 = arith.constant 56 : i32
    %add3A_108 = arith.addi %add3A_92, %add3A_107 : i32
    %gt3A_109 = arith.constant 320000 : i32
    %gt3A_110 = arith.cmpi sgt, %add3A_108, %gt3A_109 : i32
    %and3A_111 = arith.andi %lt3A_106, %gt3A_110 : i1
    %convert_element_type3A_112 = arith.extui %and3A_111 : i1 to i32
    %cond3A_113 = arith.constant 0 : i32
    %cond3A_114 = arith.cmpi ne, %convert_element_type3A_112, %cond3A_113 : i32
    scf.if %cond3A_114 {
      %dma_start3A_157 = arith.constant 0 : i32
      %dma_start3A_158 = arith.constant 0 : i32
      %dma_start3A_159 = tpu.memref_slice %arg13[%dma_start3A_158] : memref<56xi32, #tpu.memory_space<vmem>> -> memref<16xi32, #tpu.memory_space<vmem>>
      %dma_start3A_160 = arith.constant 319984 : i32
      %dma_start3A_161 = tpu.memref_slice %arg3[%dma_start3A_157, %dma_start3A_160] : memref<2x320000xi32, #tpu.memory_space<hbm>> -> memref<1x16xi32, #tpu.memory_space<hbm>>
      %dma_start3A_162 = tpu.memref_squeeze %dma_start3A_161 : memref<1x16xi32, #tpu.memory_space<hbm>> -> memref<16xi32, #tpu.memory_space<hbm>>
      %dma_start3A_163 = arith.constant 0 : i32
      %dma_start3A_164 = tpu.memref_slice %arg13[%dma_start3A_163] : memref<56xi32, #tpu.memory_space<vmem>> -> memref<16xi32, #tpu.memory_space<vmem>>
      %dma_start3A_165 = arith.constant 319984 : i32
      %dma_start3A_166 = tpu.memref_slice %arg3[%dma_start3A_157, %dma_start3A_165] : memref<2x320000xi32, #tpu.memory_space<hbm>> -> memref<1x16xi32, #tpu.memory_space<hbm>>
      %dma_start3A_167 = tpu.memref_squeeze %dma_start3A_166 : memref<1x16xi32, #tpu.memory_space<hbm>> -> memref<16xi32, #tpu.memory_space<hbm>>
      tpu.enqueue_dma source(%dma_start3A_167 : memref<16xi32, #tpu.memory_space<hbm>>) target(%dma_start3A_164 : memref<16xi32, #tpu.memory_space<vmem>>) target_semaphore(%arg28 : memref<!tpu.dma_semaphore, #tpu.memory_space<semaphore_mem>>)
      %dma_start3A_168 = arith.constant 16 : i32
      %dma_start3A_169 = tpu.memref_slice %arg13[%dma_start3A_168] : memref<56xi32, #tpu.memory_space<vmem>> -> memref<40xi32, #tpu.memory_space<vmem>>
      %dma_start3A_170 = arith.constant 0 : i32
      %dma_start3A_171 = tpu.memref_slice %arg4[%dma_start3A_170] : memref<2560xi32, #tpu.memory_space<hbm>> -> memref<40xi32, #tpu.memory_space<hbm>>
      %dma_start3A_172 = arith.constant 16 : i32
      %dma_start3A_173 = tpu.memref_slice %arg13[%dma_start3A_172] : memref<56xi32, #tpu.memory_space<vmem>> -> memref<40xi32, #tpu.memory_space<vmem>>
      %dma_start3A_174 = arith.constant 0 : i32
      %dma_start3A_175 = tpu.memref_slice %arg4[%dma_start3A_174] : memref<2560xi32, #tpu.memory_space<hbm>> -> memref<40xi32, #tpu.memory_space<hbm>>
      tpu.enqueue_dma source(%dma_start3A_175 : memref<40xi32, #tpu.memory_space<hbm>>) target(%dma_start3A_173 : memref<40xi32, #tpu.memory_space<vmem>>) target_semaphore(%arg28 : memref<!tpu.dma_semaphore, #tpu.memory_space<semaphore_mem>>)
    } else {
    }
    %dma_start3A_115 = arith.constant 168 : i32
    %dma_start3A_116 = tpu.memref_slice %arg9[%dma_start3A_115] : memref<10080xi32, #tpu.memory_space<vmem>> -> memref<56xi32, #tpu.memory_space<vmem>>
    %dma_start3A_117 = arith.constant 0 : i32
    %dma_start3A_118 = arith.constant 0 : i32
    %dma_start3A_119 = tpu.memref_slice %arg2[%dma_start3A_117, %dma_start3A_118] : memref<10000x128xf32, #tpu.memory_space<hbm>> -> memref<10000x128xf32, #tpu.memory_space<hbm>>
    tpu.enqueue_indirect_dma source(%dma_start3A_119 : memref<10000x128xf32, #tpu.memory_space<hbm>>) target(%arg18 : memref<56x128xf32, #tpu.memory_space<vmem>>) offsets(%dma_start3A_116 : memref<56xi32, #tpu.memory_space<vmem>>) semaphore(%arg23 : memref<!tpu.dma_semaphore, #tpu.memory_space<semaphore_mem>>)
    %add3A_120 = arith.constant 224 : i32
    %add3A_121 = arith.addi %mul3A_2, %add3A_120 : i32
    %add3A_122 = arith.constant 56 : i32
    %add3A_123 = arith.addi %add3A_121, %add3A_122 : i32
    %le3A_124 = arith.constant 320000 : i32
    %le3A_125 = arith.cmpi sle, %add3A_123, %le3A_124 : i32
    %convert_element_type3A_126 = arith.extui %le3A_125 : i1 to i32
    %cond3A_127 = arith.constant 0 : i32
    %cond3A_128 = arith.cmpi ne, %convert_element_type3A_126, %cond3A_127 : i32
    scf.if %cond3A_128 {
      %dma_start3A_157 = arith.constant 0 : i32
      %dma_start3A_158 = tpu.memref_slice %arg3[%dma_start3A_157, %add3A_121] : memref<2x320000xi32, #tpu.memory_space<hbm>> -> memref<1x56xi32, #tpu.memory_space<hbm>>
      %dma_start3A_159 = tpu.memref_squeeze %dma_start3A_158 : memref<1x56xi32, #tpu.memory_space<hbm>> -> memref<56xi32, #tpu.memory_space<hbm>>
      %dma_start3A_160 = tpu.memref_slice %arg3[%dma_start3A_157, %add3A_121] : memref<2x320000xi32, #tpu.memory_space<hbm>> -> memref<1x56xi32, #tpu.memory_space<hbm>>
      %dma_start3A_161 = tpu.memref_squeeze %dma_start3A_160 : memref<1x56xi32, #tpu.memory_space<hbm>> -> memref<56xi32, #tpu.memory_space<hbm>>
      tpu.enqueue_dma source(%dma_start3A_161 : memref<56xi32, #tpu.memory_space<hbm>>) target(%arg14 : memref<56xi32, #tpu.memory_space<vmem>>) target_semaphore(%arg29 : memref<!tpu.dma_semaphore, #tpu.memory_space<semaphore_mem>>)
    } else {
    }
    %ge3A_129 = arith.constant 320000 : i32
    %ge3A_130 = arith.cmpi sge, %add3A_121, %ge3A_129 : i32
    %convert_element_type3A_131 = arith.extui %ge3A_130 : i1 to i32
    %cond3A_132 = arith.constant 0 : i32
    %cond3A_133 = arith.cmpi ne, %convert_element_type3A_131, %cond3A_132 : i32
    scf.if %cond3A_133 {
      %sub3A = arith.constant 320000 : i32
      %sub3A_157 = arith.subi %add3A_121, %sub3A : i32
      %dma_start3A_158 = tpu.memref_slice %arg4[%sub3A_157] : memref<2560xi32, #tpu.memory_space<hbm>> -> memref<56xi32, #tpu.memory_space<hbm>>
      %dma_start3A_159 = tpu.memref_slice %arg4[%sub3A_157] : memref<2560xi32, #tpu.memory_space<hbm>> -> memref<56xi32, #tpu.memory_space<hbm>>
      tpu.enqueue_dma source(%dma_start3A_159 : memref<56xi32, #tpu.memory_space<hbm>>) target(%arg14 : memref<56xi32, #tpu.memory_space<vmem>>) target_semaphore(%arg29 : memref<!tpu.dma_semaphore, #tpu.memory_space<semaphore_mem>>)
    } else {
    }
    %lt3A_134 = arith.constant 320000 : i32
    %lt3A_135 = arith.cmpi slt, %add3A_121, %lt3A_134 : i32
    %add3A_136 = arith.constant 56 : i32
    %add3A_137 = arith.addi %add3A_121, %add3A_136 : i32
    %gt3A_138 = arith.constant 320000 : i32
    %gt3A_139 = arith.cmpi sgt, %add3A_137, %gt3A_138 : i32
    %and3A_140 = arith.andi %lt3A_135, %gt3A_139 : i1
    %convert_element_type3A_141 = arith.extui %and3A_140 : i1 to i32
    %cond3A_142 = arith.constant 0 : i32
    %cond3A_143 = arith.cmpi ne, %convert_element_type3A_141, %cond3A_142 : i32
    scf.if %cond3A_143 {
      %dma_start3A_157 = arith.constant 0 : i32
      %dma_start3A_158 = arith.constant 0 : i32
      %dma_start3A_159 = tpu.memref_slice %arg14[%dma_start3A_158] : memref<56xi32, #tpu.memory_space<vmem>> -> memref<16xi32, #tpu.memory_space<vmem>>
      %dma_start3A_160 = arith.constant 319984 : i32
      %dma_start3A_161 = tpu.memref_slice %arg3[%dma_start3A_157, %dma_start3A_160] : memref<2x320000xi32, #tpu.memory_space<hbm>> -> memref<1x16xi32, #tpu.memory_space<hbm>>
      %dma_start3A_162 = tpu.memref_squeeze %dma_start3A_161 : memref<1x16xi32, #tpu.memory_space<hbm>> -> memref<16xi32, #tpu.memory_space<hbm>>
      %dma_start3A_163 = arith.constant 0 : i32
      %dma_start3A_164 = tpu.memref_slice %arg14[%dma_start3A_163] : memref<56xi32, #tpu.memory_space<vmem>> -> memref<16xi32, #tpu.memory_space<vmem>>
      %dma_start3A_165 = arith.constant 319984 : i32
      %dma_start3A_166 = tpu.memref_slice %arg3[%dma_start3A_157, %dma_start3A_165] : memref<2x320000xi32, #tpu.memory_space<hbm>> -> memref<1x16xi32, #tpu.memory_space<hbm>>
      %dma_start3A_167 = tpu.memref_squeeze %dma_start3A_166 : memref<1x16xi32, #tpu.memory_space<hbm>> -> memref<16xi32, #tpu.memory_space<hbm>>
      tpu.enqueue_dma source(%dma_start3A_167 : memref<16xi32, #tpu.memory_space<hbm>>) target(%dma_start3A_164 : memref<16xi32, #tpu.memory_space<vmem>>) target_semaphore(%arg29 : memref<!tpu.dma_semaphore, #tpu.memory_space<semaphore_mem>>)
      %dma_start3A_168 = arith.constant 16 : i32
      %dma_start3A_169 = tpu.memref_slice %arg14[%dma_start3A_168] : memref<56xi32, #tpu.memory_space<vmem>> -> memref<40xi32, #tpu.memory_space<vmem>>
      %dma_start3A_170 = arith.constant 0 : i32
      %dma_start3A_171 = tpu.memref_slice %arg4[%dma_start3A_170] : memref<2560xi32, #tpu.memory_space<hbm>> -> memref<40xi32, #tpu.memory_space<hbm>>
      %dma_start3A_172 = arith.constant 16 : i32
      %dma_start3A_173 = tpu.memref_slice %arg14[%dma_start3A_172] : memref<56xi32, #tpu.memory_space<vmem>> -> memref<40xi32, #tpu.memory_space<vmem>>
      %dma_start3A_174 = arith.constant 0 : i32
      %dma_start3A_175 = tpu.memref_slice %arg4[%dma_start3A_174] : memref<2560xi32, #tpu.memory_space<hbm>> -> memref<40xi32, #tpu.memory_space<hbm>>
      tpu.enqueue_dma source(%dma_start3A_175 : memref<40xi32, #tpu.memory_space<hbm>>) target(%dma_start3A_173 : memref<40xi32, #tpu.memory_space<vmem>>) target_semaphore(%arg29 : memref<!tpu.dma_semaphore, #tpu.memory_space<semaphore_mem>>)
    } else {
    }
    %dma_start3A_144 = arith.constant 224 : i32
    %dma_start3A_145 = tpu.memref_slice %arg9[%dma_start3A_144] : memref<10080xi32, #tpu.memory_space<vmem>> -> memref<56xi32, #tpu.memory_space<vmem>>
    %dma_start3A_146 = arith.constant 0 : i32
    %dma_start3A_147 = arith.constant 0 : i32
    %dma_start3A_148 = tpu.memref_slice %arg2[%dma_start3A_146, %dma_start3A_147] : memref<10000x128xf32, #tpu.memory_space<hbm>> -> memref<10000x128xf32, #tpu.memory_space<hbm>>
    tpu.enqueue_indirect_dma source(%dma_start3A_148 : memref<10000x128xf32, #tpu.memory_space<hbm>>) target(%arg19 : memref<56x128xf32, #tpu.memory_space<vmem>>) offsets(%dma_start3A_145 : memref<56xi32, #tpu.memory_space<vmem>>) semaphore(%arg24 : memref<!tpu.dma_semaphore, #tpu.memory_space<semaphore_mem>>)
    %mul3A_149 = arith.constant 632 : i32
    %mul3A_150 = arith.muli %arg1, %mul3A_149 : i32
    "tpu.region"() ({
      %run_scoped3A = tpu.sem_alloc : memref<!tpu.dma_semaphore, #tpu.memory_space<semaphore_mem>>
      %dma_start3A_157 = arith.constant 0 : i32
      %dma_start3A_158 = tpu.memref_slice %arg8[%mul3A_150, %dma_start3A_157] : memref<10112x128xf32, #tpu.memory_space<vmem_shared>> -> memref<632x128xf32, #tpu.memory_space<vmem_shared>>
      tpu.enqueue_dma source(%arg6 : memref<632x128xf32, #tpu.memory_space<hbm>>) target(%dma_start3A_158 : memref<632x128xf32, #tpu.memory_space<vmem_shared>>) target_semaphore(%run_scoped3A : memref<!tpu.dma_semaphore, #tpu.memory_space<semaphore_mem>>)
      %dma_wait3A = arith.constant 0 : i32
      %dma_wait3A_159 = tpu.memref_slice %arg8[%mul3A_150, %dma_wait3A] : memref<10112x128xf32, #tpu.memory_space<vmem_shared>> -> memref<632x128xf32, #tpu.memory_space<vmem_shared>>
      tpu.wait_dma2 semaphore(%run_scoped3A : memref<!tpu.dma_semaphore, #tpu.memory_space<semaphore_mem>>) src(%arg6 : memref<632x128xf32, #tpu.memory_space<hbm>>) dst(%dma_wait3A_159 : memref<632x128xf32, #tpu.memory_space<vmem_shared>>)
      tpu.yield
    }) : () -> ()
    %barrier3A = arith.constant 0 : index
    tpu.barrier barrier_id(%barrier3A)
    %scan3A = arith.constant 0 : i32
    %scan3A_151 = arith.constant 0 : i32
    %scan3A_152 = arith.constant 36 : i32
    %scan3A_153 = arith.addi %scan3A_151, %scan3A_152 : i32
    %scan3A_154 = arith.constant 1 : i32
    scf.for %scan3A_157 = %scan3A_151 to %scan3A_153 step %scan3A_154  : i32 {
      %mul3A_158 = arith.constant 5 : i32
      %mul3A_159 = arith.muli %scan3A_157, %mul3A_158 : i32
      %add3A_160 = arith.constant 0 : i32
      %add3A_161 = arith.addi %mul3A_159, %add3A_160 : i32
      %mul3A_162 = arith.constant 56 : i32
      %mul3A_163 = arith.muli %add3A_161, %mul3A_162 : i32
      %dma_wait3A = tpu.memref_slice %arg9[%mul3A_163] : memref<10080xi32, #tpu.memory_space<vmem>> -> memref<56xi32, #tpu.memory_space<vmem>>
      %dma_wait3A_164 = arith.constant 0 : i32
      %dma_wait3A_165 = arith.constant 0 : i32
      %dma_wait3A_166 = tpu.memref_slice %arg2[%dma_wait3A_164, %dma_wait3A_165] : memref<10000x128xf32, #tpu.memory_space<hbm>> -> memref<10000x128xf32, #tpu.memory_space<hbm>>
      tpu.wait_indirect_dma semaphore(%arg20 : memref<!tpu.dma_semaphore, #tpu.memory_space<semaphore_mem>>) src(%dma_wait3A_166 : memref<10000x128xf32, #tpu.memory_space<hbm>>) dst(%arg15 : memref<56x128xf32, #tpu.memory_space<vmem>>)
      %dma_wait3A_167 = arith.constant 0 : i32
      %dma_wait3A_168 = tpu.memref_slice %arg4[%dma_wait3A_167] : memref<2560xi32, #tpu.memory_space<hbm>> -> memref<56xi32, #tpu.memory_space<hbm>>
      %dma_wait3A_169 = arith.constant 0 : i32
      %dma_wait3A_170 = tpu.memref_slice %arg4[%dma_wait3A_169] : memref<2560xi32, #tpu.memory_space<hbm>> -> memref<56xi32, #tpu.memory_space<hbm>>
      tpu.wait_dma2 semaphore(%arg25 : memref<!tpu.dma_semaphore, #tpu.memory_space<semaphore_mem>>) src(%dma_wait3A_170 : memref<56xi32, #tpu.memory_space<hbm>>) dst(%arg10 : memref<56xi32, #tpu.memory_space<vmem>>)
      "tpu.region"() ({
        %run_scoped3A = tpu.sem_alloc : memref<!tpu.dma_semaphore, #tpu.memory_space<semaphore_mem>>
        %dma_start3A_262 = arith.constant 0 : i32
        %dma_start3A_263 = arith.constant 0 : i32
        %dma_start3A_264 = tpu.memref_slice %arg8[%dma_start3A_262, %dma_start3A_263] : memref<10112x128xf32, #tpu.memory_space<vmem_shared>> -> memref<10112x128xf32, #tpu.memory_space<vmem_shared>>
        tpu.enqueue_indirect_dma source(%arg15 : memref<56x128xf32, #tpu.memory_space<vmem>>) target(%dma_start3A_264 : memref<10112x128xf32, #tpu.memory_space<vmem_shared>>) offsets(%arg10 : memref<56xi32, #tpu.memory_space<vmem>>) semaphore(%run_scoped3A : memref<!tpu.dma_semaphore, #tpu.memory_space<semaphore_mem>>) {add = true}
        %dma_wait3A_265 = arith.constant 0 : i32
        %dma_wait3A_266 = arith.constant 0 : i32
        %dma_wait3A_267 = tpu.memref_slice %arg8[%dma_wait3A_265, %dma_wait3A_266] : memref<10112x128xf32, #tpu.memory_space<vmem_shared>> -> memref<10112x128xf32, #tpu.memory_space<vmem_shared>>
        tpu.wait_indirect_dma semaphore(%run_scoped3A : memref<!tpu.dma_semaphore, #tpu.memory_space<semaphore_mem>>) src(%arg15 : memref<56x128xf32, #tpu.memory_space<vmem>>) dst(%dma_wait3A_267 : memref<10112x128xf32, #tpu.memory_space<vmem_shared>>)
        tpu.yield
      }) : () -> ()
      %add3A_171 = arith.constant 5 : i32
      %add3A_172 = arith.addi %add3A_161, %add3A_171 : i32
      %lt3A_173 = arith.constant 180 : i32
      %lt3A_174 = arith.cmpi slt, %add3A_172, %lt3A_173 : i32
      %convert_element_type3A_175 = arith.extui %lt3A_174 : i1 to i32
      %cond3A_176 = arith.constant 0 : i32
      %cond3A_177 = arith.cmpi ne, %convert_element_type3A_175, %cond3A_176 : i32
      scf.if %cond3A_177 {
        %add3A_262 = arith.constant 5 : i32
        %add3A_263 = arith.addi %add3A_161, %add3A_262 : i32
        %mul3A_264 = arith.constant 56 : i32
        %mul3A_265 = arith.muli %add3A_263, %mul3A_264 : i32
        %add3A_266 = arith.addi %mul3A_2, %mul3A_265 : i32
        %add3A_267 = arith.constant 56 : i32
        %add3A_268 = arith.addi %add3A_266, %add3A_267 : i32
        %le3A_269 = arith.constant 320000 : i32
        %le3A_270 = arith.cmpi sle, %add3A_268, %le3A_269 : i32
        %convert_element_type3A_271 = arith.extui %le3A_270 : i1 to i32
        %cond3A_272 = arith.constant 0 : i32
        %cond3A_273 = arith.cmpi ne, %convert_element_type3A_271, %cond3A_272 : i32
        scf.if %cond3A_273 {
          %dma_start3A_295 = arith.constant 0 : i32
          %dma_start3A_296 = tpu.memref_slice %arg3[%dma_start3A_295, %add3A_266] : memref<2x320000xi32, #tpu.memory_space<hbm>> -> memref<1x56xi32, #tpu.memory_space<hbm>>
          %dma_start3A_297 = tpu.memref_squeeze %dma_start3A_296 : memref<1x56xi32, #tpu.memory_space<hbm>> -> memref<56xi32, #tpu.memory_space<hbm>>
          %dma_start3A_298 = tpu.memref_slice %arg3[%dma_start3A_295, %add3A_266] : memref<2x320000xi32, #tpu.memory_space<hbm>> -> memref<1x56xi32, #tpu.memory_space<hbm>>
          %dma_start3A_299 = tpu.memref_squeeze %dma_start3A_298 : memref<1x56xi32, #tpu.memory_space<hbm>> -> memref<56xi32, #tpu.memory_space<hbm>>
          tpu.enqueue_dma source(%dma_start3A_299 : memref<56xi32, #tpu.memory_space<hbm>>) target(%arg10 : memref<56xi32, #tpu.memory_space<vmem>>) target_semaphore(%arg25 : memref<!tpu.dma_semaphore, #tpu.memory_space<semaphore_mem>>)
        } else {
        }
        %ge3A_274 = arith.constant 320000 : i32
        %ge3A_275 = arith.cmpi sge, %add3A_266, %ge3A_274 : i32
        %convert_element_type3A_276 = arith.extui %ge3A_275 : i1 to i32
        %cond3A_277 = arith.constant 0 : i32
        %cond3A_278 = arith.cmpi ne, %convert_element_type3A_276, %cond3A_277 : i32
        scf.if %cond3A_278 {
          %sub3A = arith.constant 320000 : i32
          %sub3A_295 = arith.subi %add3A_266, %sub3A : i32
          %dma_start3A_296 = tpu.memref_slice %arg4[%sub3A_295] : memref<2560xi32, #tpu.memory_space<hbm>> -> memref<56xi32, #tpu.memory_space<hbm>>
          %dma_start3A_297 = tpu.memref_slice %arg4[%sub3A_295] : memref<2560xi32, #tpu.memory_space<hbm>> -> memref<56xi32, #tpu.memory_space<hbm>>
          tpu.enqueue_dma source(%dma_start3A_297 : memref<56xi32, #tpu.memory_space<hbm>>) target(%arg10 : memref<56xi32, #tpu.memory_space<vmem>>) target_semaphore(%arg25 : memref<!tpu.dma_semaphore, #tpu.memory_space<semaphore_mem>>)
        } else {
        }
        %lt3A_279 = arith.constant 320000 : i32
        %lt3A_280 = arith.cmpi slt, %add3A_266, %lt3A_279 : i32
        %add3A_281 = arith.constant 56 : i32
        %add3A_282 = arith.addi %add3A_266, %add3A_281 : i32
        %gt3A_283 = arith.constant 320000 : i32
        %gt3A_284 = arith.cmpi sgt, %add3A_282, %gt3A_283 : i32
        %and3A_285 = arith.andi %lt3A_280, %gt3A_284 : i1
        %convert_element_type3A_286 = arith.extui %and3A_285 : i1 to i32
        %cond3A_287 = arith.constant 0 : i32
        %cond3A_288 = arith.cmpi ne, %convert_element_type3A_286, %cond3A_287 : i32
        scf.if %cond3A_288 {
          %dma_start3A_295 = arith.constant 0 : i32
          %dma_start3A_296 = arith.constant 0 : i32
          %dma_start3A_297 = tpu.memref_slice %arg10[%dma_start3A_296] : memref<56xi32, #tpu.memory_space<vmem>> -> memref<16xi32, #tpu.memory_space<vmem>>
          %dma_start3A_298 = arith.constant 319984 : i32
          %dma_start3A_299 = tpu.memref_slice %arg3[%dma_start3A_295, %dma_start3A_298] : memref<2x320000xi32, #tpu.memory_space<hbm>> -> memref<1x16xi32, #tpu.memory_space<hbm>>
          %dma_start3A_300 = tpu.memref_squeeze %dma_start3A_299 : memref<1x16xi32, #tpu.memory_space<hbm>> -> memref<16xi32, #tpu.memory_space<hbm>>
          %dma_start3A_301 = arith.constant 0 : i32
          %dma_start3A_302 = tpu.memref_slice %arg10[%dma_start3A_301] : memref<56xi32, #tpu.memory_space<vmem>> -> memref<16xi32, #tpu.memory_space<vmem>>
          %dma_start3A_303 = arith.constant 319984 : i32
          %dma_start3A_304 = tpu.memref_slice %arg3[%dma_start3A_295, %dma_start3A_303] : memref<2x320000xi32, #tpu.memory_space<hbm>> -> memref<1x16xi32, #tpu.memory_space<hbm>>
          %dma_start3A_305 = tpu.memref_squeeze %dma_start3A_304 : memref<1x16xi32, #tpu.memory_space<hbm>> -> memref<16xi32, #tpu.memory_space<hbm>>
          tpu.enqueue_dma source(%dma_start3A_305 : memref<16xi32, #tpu.memory_space<hbm>>) target(%dma_start3A_302 : memref<16xi32, #tpu.memory_space<vmem>>) target_semaphore(%arg25 : memref<!tpu.dma_semaphore, #tpu.memory_space<semaphore_mem>>)
          %dma_start3A_306 = arith.constant 16 : i32
          %dma_start3A_307 = tpu.memref_slice %arg10[%dma_start3A_306] : memref<56xi32, #tpu.memory_space<vmem>> -> memref<40xi32, #tpu.memory_space<vmem>>
          %dma_start3A_308 = arith.constant 0 : i32
          %dma_start3A_309 = tpu.memref_slice %arg4[%dma_start3A_308] : memref<2560xi32, #tpu.memory_space<hbm>> -> memref<40xi32, #tpu.memory_space<hbm>>
          %dma_start3A_310 = arith.constant 16 : i32
          %dma_start3A_311 = tpu.memref_slice %arg10[%dma_start3A_310] : memref<56xi32, #tpu.memory_space<vmem>> -> memref<40xi32, #tpu.memory_space<vmem>>
          %dma_start3A_312 = arith.constant 0 : i32
          %dma_start3A_313 = tpu.memref_slice %arg4[%dma_start3A_312] : memref<2560xi32, #tpu.memory_space<hbm>> -> memref<40xi32, #tpu.memory_space<hbm>>
          tpu.enqueue_dma source(%dma_start3A_313 : memref<40xi32, #tpu.memory_space<hbm>>) target(%dma_start3A_311 : memref<40xi32, #tpu.memory_space<vmem>>) target_semaphore(%arg25 : memref<!tpu.dma_semaphore, #tpu.memory_space<semaphore_mem>>)
        } else {
        }
        %mul3A_289 = arith.constant 56 : i32
        %mul3A_290 = arith.muli %add3A_263, %mul3A_289 : i32
        %dma_start3A_291 = tpu.memref_slice %arg9[%mul3A_290] : memref<10080xi32, #tpu.memory_space<vmem>> -> memref<56xi32, #tpu.memory_space<vmem>>
        %dma_start3A_292 = arith.constant 0 : i32
        %dma_start3A_293 = arith.constant 0 : i32
        %dma_start3A_294 = tpu.memref_slice %arg2[%dma_start3A_292, %dma_start3A_293] : memref<10000x128xf32, #tpu.memory_space<hbm>> -> memref<10000x128xf32, #tpu.memory_space<hbm>>
        tpu.enqueue_indirect_dma source(%dma_start3A_294 : memref<10000x128xf32, #tpu.memory_space<hbm>>) target(%arg15 : memref<56x128xf32, #tpu.memory_space<vmem>>) offsets(%dma_start3A_291 : memref<56xi32, #tpu.memory_space<vmem>>) semaphore(%arg20 : memref<!tpu.dma_semaphore, #tpu.memory_space<semaphore_mem>>)
      } else {
      }
      %mul3A_178 = arith.constant 5 : i32
      %mul3A_179 = arith.muli %scan3A_157, %mul3A_178 : i32
      %add3A_180 = arith.constant 1 : i32
      %add3A_181 = arith.addi %mul3A_179, %add3A_180 : i32
      %mul3A_182 = arith.constant 56 : i32
      %mul3A_183 = arith.muli %add3A_181, %mul3A_182 : i32
      %dma_wait3A_184 = tpu.memref_slice %arg9[%mul3A_183] : memref<10080xi32, #tpu.memory_space<vmem>> -> memref<56xi32, #tpu.memory_space<vmem>>
      %dma_wait3A_185 = arith.constant 0 : i32
      %dma_wait3A_186 = arith.constant 0 : i32
      %dma_wait3A_187 = tpu.memref_slice %arg2[%dma_wait3A_185, %dma_wait3A_186] : memref<10000x128xf32, #tpu.memory_space<hbm>> -> memref<10000x128xf32, #tpu.memory_space<hbm>>
      tpu.wait_indirect_dma semaphore(%arg21 : memref<!tpu.dma_semaphore, #tpu.memory_space<semaphore_mem>>) src(%dma_wait3A_187 : memref<10000x128xf32, #tpu.memory_space<hbm>>) dst(%arg16 : memref<56x128xf32, #tpu.memory_space<vmem>>)
      %dma_wait3A_188 = arith.constant 0 : i32
      %dma_wait3A_189 = tpu.memref_slice %arg4[%dma_wait3A_188] : memref<2560xi32, #tpu.memory_space<hbm>> -> memref<56xi32, #tpu.memory_space<hbm>>
      %dma_wait3A_190 = arith.constant 0 : i32
      %dma_wait3A_191 = tpu.memref_slice %arg4[%dma_wait3A_190] : memref<2560xi32, #tpu.memory_space<hbm>> -> memref<56xi32, #tpu.memory_space<hbm>>
      tpu.wait_dma2 semaphore(%arg26 : memref<!tpu.dma_semaphore, #tpu.memory_space<semaphore_mem>>) src(%dma_wait3A_191 : memref<56xi32, #tpu.memory_space<hbm>>) dst(%arg11 : memref<56xi32, #tpu.memory_space<vmem>>)
      "tpu.region"() ({
        %run_scoped3A = tpu.sem_alloc : memref<!tpu.dma_semaphore, #tpu.memory_space<semaphore_mem>>
        %dma_start3A_262 = arith.constant 0 : i32
        %dma_start3A_263 = arith.constant 0 : i32
        %dma_start3A_264 = tpu.memref_slice %arg8[%dma_start3A_262, %dma_start3A_263] : memref<10112x128xf32, #tpu.memory_space<vmem_shared>> -> memref<10112x128xf32, #tpu.memory_space<vmem_shared>>
        tpu.enqueue_indirect_dma source(%arg16 : memref<56x128xf32, #tpu.memory_space<vmem>>) target(%dma_start3A_264 : memref<10112x128xf32, #tpu.memory_space<vmem_shared>>) offsets(%arg11 : memref<56xi32, #tpu.memory_space<vmem>>) semaphore(%run_scoped3A : memref<!tpu.dma_semaphore, #tpu.memory_space<semaphore_mem>>) {add = true}
        %dma_wait3A_265 = arith.constant 0 : i32
        %dma_wait3A_266 = arith.constant 0 : i32
        %dma_wait3A_267 = tpu.memref_slice %arg8[%dma_wait3A_265, %dma_wait3A_266] : memref<10112x128xf32, #tpu.memory_space<vmem_shared>> -> memref<10112x128xf32, #tpu.memory_space<vmem_shared>>
        tpu.wait_indirect_dma semaphore(%run_scoped3A : memref<!tpu.dma_semaphore, #tpu.memory_space<semaphore_mem>>) src(%arg16 : memref<56x128xf32, #tpu.memory_space<vmem>>) dst(%dma_wait3A_267 : memref<10112x128xf32, #tpu.memory_space<vmem_shared>>)
        tpu.yield
      }) : () -> ()
      %add3A_192 = arith.constant 5 : i32
      %add3A_193 = arith.addi %add3A_181, %add3A_192 : i32
      %lt3A_194 = arith.constant 180 : i32
      %lt3A_195 = arith.cmpi slt, %add3A_193, %lt3A_194 : i32
      %convert_element_type3A_196 = arith.extui %lt3A_195 : i1 to i32
      %cond3A_197 = arith.constant 0 : i32
      %cond3A_198 = arith.cmpi ne, %convert_element_type3A_196, %cond3A_197 : i32
      scf.if %cond3A_198 {
        %add3A_262 = arith.constant 5 : i32
        %add3A_263 = arith.addi %add3A_181, %add3A_262 : i32
        %mul3A_264 = arith.constant 56 : i32
        %mul3A_265 = arith.muli %add3A_263, %mul3A_264 : i32
        %add3A_266 = arith.addi %mul3A_2, %mul3A_265 : i32
        %add3A_267 = arith.constant 56 : i32
        %add3A_268 = arith.addi %add3A_266, %add3A_267 : i32
        %le3A_269 = arith.constant 320000 : i32
        %le3A_270 = arith.cmpi sle, %add3A_268, %le3A_269 : i32
        %convert_element_type3A_271 = arith.extui %le3A_270 : i1 to i32
        %cond3A_272 = arith.constant 0 : i32
        %cond3A_273 = arith.cmpi ne, %convert_element_type3A_271, %cond3A_272 : i32
        scf.if %cond3A_273 {
          %dma_start3A_295 = arith.constant 0 : i32
          %dma_start3A_296 = tpu.memref_slice %arg3[%dma_start3A_295, %add3A_266] : memref<2x320000xi32, #tpu.memory_space<hbm>> -> memref<1x56xi32, #tpu.memory_space<hbm>>
          %dma_start3A_297 = tpu.memref_squeeze %dma_start3A_296 : memref<1x56xi32, #tpu.memory_space<hbm>> -> memref<56xi32, #tpu.memory_space<hbm>>
          %dma_start3A_298 = tpu.memref_slice %arg3[%dma_start3A_295, %add3A_266] : memref<2x320000xi32, #tpu.memory_space<hbm>> -> memref<1x56xi32, #tpu.memory_space<hbm>>
          %dma_start3A_299 = tpu.memref_squeeze %dma_start3A_298 : memref<1x56xi32, #tpu.memory_space<hbm>> -> memref<56xi32, #tpu.memory_space<hbm>>
          tpu.enqueue_dma source(%dma_start3A_299 : memref<56xi32, #tpu.memory_space<hbm>>) target(%arg11 : memref<56xi32, #tpu.memory_space<vmem>>) target_semaphore(%arg26 : memref<!tpu.dma_semaphore, #tpu.memory_space<semaphore_mem>>)
        } else {
        }
        %ge3A_274 = arith.constant 320000 : i32
        %ge3A_275 = arith.cmpi sge, %add3A_266, %ge3A_274 : i32
        %convert_element_type3A_276 = arith.extui %ge3A_275 : i1 to i32
        %cond3A_277 = arith.constant 0 : i32
        %cond3A_278 = arith.cmpi ne, %convert_element_type3A_276, %cond3A_277 : i32
        scf.if %cond3A_278 {
          %sub3A = arith.constant 320000 : i32
          %sub3A_295 = arith.subi %add3A_266, %sub3A : i32
          %dma_start3A_296 = tpu.memref_slice %arg4[%sub3A_295] : memref<2560xi32, #tpu.memory_space<hbm>> -> memref<56xi32, #tpu.memory_space<hbm>>
          %dma_start3A_297 = tpu.memref_slice %arg4[%sub3A_295] : memref<2560xi32, #tpu.memory_space<hbm>> -> memref<56xi32, #tpu.memory_space<hbm>>
          tpu.enqueue_dma source(%dma_start3A_297 : memref<56xi32, #tpu.memory_space<hbm>>) target(%arg11 : memref<56xi32, #tpu.memory_space<vmem>>) target_semaphore(%arg26 : memref<!tpu.dma_semaphore, #tpu.memory_space<semaphore_mem>>)
        } else {
        }
        %lt3A_279 = arith.constant 320000 : i32
        %lt3A_280 = arith.cmpi slt, %add3A_266, %lt3A_279 : i32
        %add3A_281 = arith.constant 56 : i32
        %add3A_282 = arith.addi %add3A_266, %add3A_281 : i32
        %gt3A_283 = arith.constant 320000 : i32
        %gt3A_284 = arith.cmpi sgt, %add3A_282, %gt3A_283 : i32
        %and3A_285 = arith.andi %lt3A_280, %gt3A_284 : i1
        %convert_element_type3A_286 = arith.extui %and3A_285 : i1 to i32
        %cond3A_287 = arith.constant 0 : i32
        %cond3A_288 = arith.cmpi ne, %convert_element_type3A_286, %cond3A_287 : i32
        scf.if %cond3A_288 {
          %dma_start3A_295 = arith.constant 0 : i32
          %dma_start3A_296 = arith.constant 0 : i32
          %dma_start3A_297 = tpu.memref_slice %arg11[%dma_start3A_296] : memref<56xi32, #tpu.memory_space<vmem>> -> memref<16xi32, #tpu.memory_space<vmem>>
          %dma_start3A_298 = arith.constant 319984 : i32
          %dma_start3A_299 = tpu.memref_slice %arg3[%dma_start3A_295, %dma_start3A_298] : memref<2x320000xi32, #tpu.memory_space<hbm>> -> memref<1x16xi32, #tpu.memory_space<hbm>>
          %dma_start3A_300 = tpu.memref_squeeze %dma_start3A_299 : memref<1x16xi32, #tpu.memory_space<hbm>> -> memref<16xi32, #tpu.memory_space<hbm>>
          %dma_start3A_301 = arith.constant 0 : i32
          %dma_start3A_302 = tpu.memref_slice %arg11[%dma_start3A_301] : memref<56xi32, #tpu.memory_space<vmem>> -> memref<16xi32, #tpu.memory_space<vmem>>
          %dma_start3A_303 = arith.constant 319984 : i32
          %dma_start3A_304 = tpu.memref_slice %arg3[%dma_start3A_295, %dma_start3A_303] : memref<2x320000xi32, #tpu.memory_space<hbm>> -> memref<1x16xi32, #tpu.memory_space<hbm>>
          %dma_start3A_305 = tpu.memref_squeeze %dma_start3A_304 : memref<1x16xi32, #tpu.memory_space<hbm>> -> memref<16xi32, #tpu.memory_space<hbm>>
          tpu.enqueue_dma source(%dma_start3A_305 : memref<16xi32, #tpu.memory_space<hbm>>) target(%dma_start3A_302 : memref<16xi32, #tpu.memory_space<vmem>>) target_semaphore(%arg26 : memref<!tpu.dma_semaphore, #tpu.memory_space<semaphore_mem>>)
          %dma_start3A_306 = arith.constant 16 : i32
          %dma_start3A_307 = tpu.memref_slice %arg11[%dma_start3A_306] : memref<56xi32, #tpu.memory_space<vmem>> -> memref<40xi32, #tpu.memory_space<vmem>>
          %dma_start3A_308 = arith.constant 0 : i32
          %dma_start3A_309 = tpu.memref_slice %arg4[%dma_start3A_308] : memref<2560xi32, #tpu.memory_space<hbm>> -> memref<40xi32, #tpu.memory_space<hbm>>
          %dma_start3A_310 = arith.constant 16 : i32
          %dma_start3A_311 = tpu.memref_slice %arg11[%dma_start3A_310] : memref<56xi32, #tpu.memory_space<vmem>> -> memref<40xi32, #tpu.memory_space<vmem>>
          %dma_start3A_312 = arith.constant 0 : i32
          %dma_start3A_313 = tpu.memref_slice %arg4[%dma_start3A_312] : memref<2560xi32, #tpu.memory_space<hbm>> -> memref<40xi32, #tpu.memory_space<hbm>>
          tpu.enqueue_dma source(%dma_start3A_313 : memref<40xi32, #tpu.memory_space<hbm>>) target(%dma_start3A_311 : memref<40xi32, #tpu.memory_space<vmem>>) target_semaphore(%arg26 : memref<!tpu.dma_semaphore, #tpu.memory_space<semaphore_mem>>)
        } else {
        }
        %mul3A_289 = arith.constant 56 : i32
        %mul3A_290 = arith.muli %add3A_263, %mul3A_289 : i32
        %dma_start3A_291 = tpu.memref_slice %arg9[%mul3A_290] : memref<10080xi32, #tpu.memory_space<vmem>> -> memref<56xi32, #tpu.memory_space<vmem>>
        %dma_start3A_292 = arith.constant 0 : i32
        %dma_start3A_293 = arith.constant 0 : i32
        %dma_start3A_294 = tpu.memref_slice %arg2[%dma_start3A_292, %dma_start3A_293] : memref<10000x128xf32, #tpu.memory_space<hbm>> -> memref<10000x128xf32, #tpu.memory_space<hbm>>
        tpu.enqueue_indirect_dma source(%dma_start3A_294 : memref<10000x128xf32, #tpu.memory_space<hbm>>) target(%arg16 : memref<56x128xf32, #tpu.memory_space<vmem>>) offsets(%dma_start3A_291 : memref<56xi32, #tpu.memory_space<vmem>>) semaphore(%arg21 : memref<!tpu.dma_semaphore, #tpu.memory_space<semaphore_mem>>)
      } else {
      }
      %mul3A_199 = arith.constant 5 : i32
      %mul3A_200 = arith.muli %scan3A_157, %mul3A_199 : i32
      %add3A_201 = arith.constant 2 : i32
      %add3A_202 = arith.addi %mul3A_200, %add3A_201 : i32
      %mul3A_203 = arith.constant 56 : i32
      %mul3A_204 = arith.muli %add3A_202, %mul3A_203 : i32
      %dma_wait3A_205 = tpu.memref_slice %arg9[%mul3A_204] : memref<10080xi32, #tpu.memory_space<vmem>> -> memref<56xi32, #tpu.memory_space<vmem>>
      %dma_wait3A_206 = arith.constant 0 : i32
      %dma_wait3A_207 = arith.constant 0 : i32
      %dma_wait3A_208 = tpu.memref_slice %arg2[%dma_wait3A_206, %dma_wait3A_207] : memref<10000x128xf32, #tpu.memory_space<hbm>> -> memref<10000x128xf32, #tpu.memory_space<hbm>>
      tpu.wait_indirect_dma semaphore(%arg22 : memref<!tpu.dma_semaphore, #tpu.memory_space<semaphore_mem>>) src(%dma_wait3A_208 : memref<10000x128xf32, #tpu.memory_space<hbm>>) dst(%arg17 : memref<56x128xf32, #tpu.memory_space<vmem>>)
      %dma_wait3A_209 = arith.constant 0 : i32
      %dma_wait3A_210 = tpu.memref_slice %arg4[%dma_wait3A_209] : memref<2560xi32, #tpu.memory_space<hbm>> -> memref<56xi32, #tpu.memory_space<hbm>>
      %dma_wait3A_211 = arith.constant 0 : i32
      %dma_wait3A_212 = tpu.memref_slice %arg4[%dma_wait3A_211] : memref<2560xi32, #tpu.memory_space<hbm>> -> memref<56xi32, #tpu.memory_space<hbm>>
      tpu.wait_dma2 semaphore(%arg27 : memref<!tpu.dma_semaphore, #tpu.memory_space<semaphore_mem>>) src(%dma_wait3A_212 : memref<56xi32, #tpu.memory_space<hbm>>) dst(%arg12 : memref<56xi32, #tpu.memory_space<vmem>>)
      "tpu.region"() ({
        %run_scoped3A = tpu.sem_alloc : memref<!tpu.dma_semaphore, #tpu.memory_space<semaphore_mem>>
        %dma_start3A_262 = arith.constant 0 : i32
        %dma_start3A_263 = arith.constant 0 : i32
        %dma_start3A_264 = tpu.memref_slice %arg8[%dma_start3A_262, %dma_start3A_263] : memref<10112x128xf32, #tpu.memory_space<vmem_shared>> -> memref<10112x128xf32, #tpu.memory_space<vmem_shared>>
        tpu.enqueue_indirect_dma source(%arg17 : memref<56x128xf32, #tpu.memory_space<vmem>>) target(%dma_start3A_264 : memref<10112x128xf32, #tpu.memory_space<vmem_shared>>) offsets(%arg12 : memref<56xi32, #tpu.memory_space<vmem>>) semaphore(%run_scoped3A : memref<!tpu.dma_semaphore, #tpu.memory_space<semaphore_mem>>) {add = true}
        %dma_wait3A_265 = arith.constant 0 : i32
        %dma_wait3A_266 = arith.constant 0 : i32
        %dma_wait3A_267 = tpu.memref_slice %arg8[%dma_wait3A_265, %dma_wait3A_266] : memref<10112x128xf32, #tpu.memory_space<vmem_shared>> -> memref<10112x128xf32, #tpu.memory_space<vmem_shared>>
        tpu.wait_indirect_dma semaphore(%run_scoped3A : memref<!tpu.dma_semaphore, #tpu.memory_space<semaphore_mem>>) src(%arg17 : memref<56x128xf32, #tpu.memory_space<vmem>>) dst(%dma_wait3A_267 : memref<10112x128xf32, #tpu.memory_space<vmem_shared>>)
        tpu.yield
      }) : () -> ()
      %add3A_213 = arith.constant 5 : i32
      %add3A_214 = arith.addi %add3A_202, %add3A_213 : i32
      %lt3A_215 = arith.constant 180 : i32
      %lt3A_216 = arith.cmpi slt, %add3A_214, %lt3A_215 : i32
      %convert_element_type3A_217 = arith.extui %lt3A_216 : i1 to i32
      %cond3A_218 = arith.constant 0 : i32
      %cond3A_219 = arith.cmpi ne, %convert_element_type3A_217, %cond3A_218 : i32
      scf.if %cond3A_219 {
        %add3A_262 = arith.constant 5 : i32
        %add3A_263 = arith.addi %add3A_202, %add3A_262 : i32
        %mul3A_264 = arith.constant 56 : i32
        %mul3A_265 = arith.muli %add3A_263, %mul3A_264 : i32
        %add3A_266 = arith.addi %mul3A_2, %mul3A_265 : i32
        %add3A_267 = arith.constant 56 : i32
        %add3A_268 = arith.addi %add3A_266, %add3A_267 : i32
        %le3A_269 = arith.constant 320000 : i32
        %le3A_270 = arith.cmpi sle, %add3A_268, %le3A_269 : i32
        %convert_element_type3A_271 = arith.extui %le3A_270 : i1 to i32
        %cond3A_272 = arith.constant 0 : i32
        %cond3A_273 = arith.cmpi ne, %convert_element_type3A_271, %cond3A_272 : i32
        scf.if %cond3A_273 {
          %dma_start3A_295 = arith.constant 0 : i32
          %dma_start3A_296 = tpu.memref_slice %arg3[%dma_start3A_295, %add3A_266] : memref<2x320000xi32, #tpu.memory_space<hbm>> -> memref<1x56xi32, #tpu.memory_space<hbm>>
          %dma_start3A_297 = tpu.memref_squeeze %dma_start3A_296 : memref<1x56xi32, #tpu.memory_space<hbm>> -> memref<56xi32, #tpu.memory_space<hbm>>
          %dma_start3A_298 = tpu.memref_slice %arg3[%dma_start3A_295, %add3A_266] : memref<2x320000xi32, #tpu.memory_space<hbm>> -> memref<1x56xi32, #tpu.memory_space<hbm>>
          %dma_start3A_299 = tpu.memref_squeeze %dma_start3A_298 : memref<1x56xi32, #tpu.memory_space<hbm>> -> memref<56xi32, #tpu.memory_space<hbm>>
          tpu.enqueue_dma source(%dma_start3A_299 : memref<56xi32, #tpu.memory_space<hbm>>) target(%arg12 : memref<56xi32, #tpu.memory_space<vmem>>) target_semaphore(%arg27 : memref<!tpu.dma_semaphore, #tpu.memory_space<semaphore_mem>>)
        } else {
        }
        %ge3A_274 = arith.constant 320000 : i32
        %ge3A_275 = arith.cmpi sge, %add3A_266, %ge3A_274 : i32
        %convert_element_type3A_276 = arith.extui %ge3A_275 : i1 to i32
        %cond3A_277 = arith.constant 0 : i32
        %cond3A_278 = arith.cmpi ne, %convert_element_type3A_276, %cond3A_277 : i32
        scf.if %cond3A_278 {
          %sub3A = arith.constant 320000 : i32
          %sub3A_295 = arith.subi %add3A_266, %sub3A : i32
          %dma_start3A_296 = tpu.memref_slice %arg4[%sub3A_295] : memref<2560xi32, #tpu.memory_space<hbm>> -> memref<56xi32, #tpu.memory_space<hbm>>
          %dma_start3A_297 = tpu.memref_slice %arg4[%sub3A_295] : memref<2560xi32, #tpu.memory_space<hbm>> -> memref<56xi32, #tpu.memory_space<hbm>>
          tpu.enqueue_dma source(%dma_start3A_297 : memref<56xi32, #tpu.memory_space<hbm>>) target(%arg12 : memref<56xi32, #tpu.memory_space<vmem>>) target_semaphore(%arg27 : memref<!tpu.dma_semaphore, #tpu.memory_space<semaphore_mem>>)
        } else {
        }
        %lt3A_279 = arith.constant 320000 : i32
        %lt3A_280 = arith.cmpi slt, %add3A_266, %lt3A_279 : i32
        %add3A_281 = arith.constant 56 : i32
        %add3A_282 = arith.addi %add3A_266, %add3A_281 : i32
        %gt3A_283 = arith.constant 320000 : i32
        %gt3A_284 = arith.cmpi sgt, %add3A_282, %gt3A_283 : i32
        %and3A_285 = arith.andi %lt3A_280, %gt3A_284 : i1
        %convert_element_type3A_286 = arith.extui %and3A_285 : i1 to i32
        %cond3A_287 = arith.constant 0 : i32
        %cond3A_288 = arith.cmpi ne, %convert_element_type3A_286, %cond3A_287 : i32
        scf.if %cond3A_288 {
          %dma_start3A_295 = arith.constant 0 : i32
          %dma_start3A_296 = arith.constant 0 : i32
          %dma_start3A_297 = tpu.memref_slice %arg12[%dma_start3A_296] : memref<56xi32, #tpu.memory_space<vmem>> -> memref<16xi32, #tpu.memory_space<vmem>>
          %dma_start3A_298 = arith.constant 319984 : i32
          %dma_start3A_299 = tpu.memref_slice %arg3[%dma_start3A_295, %dma_start3A_298] : memref<2x320000xi32, #tpu.memory_space<hbm>> -> memref<1x16xi32, #tpu.memory_space<hbm>>
          %dma_start3A_300 = tpu.memref_squeeze %dma_start3A_299 : memref<1x16xi32, #tpu.memory_space<hbm>> -> memref<16xi32, #tpu.memory_space<hbm>>
          %dma_start3A_301 = arith.constant 0 : i32
          %dma_start3A_302 = tpu.memref_slice %arg12[%dma_start3A_301] : memref<56xi32, #tpu.memory_space<vmem>> -> memref<16xi32, #tpu.memory_space<vmem>>
          %dma_start3A_303 = arith.constant 319984 : i32
          %dma_start3A_304 = tpu.memref_slice %arg3[%dma_start3A_295, %dma_start3A_303] : memref<2x320000xi32, #tpu.memory_space<hbm>> -> memref<1x16xi32, #tpu.memory_space<hbm>>
          %dma_start3A_305 = tpu.memref_squeeze %dma_start3A_304 : memref<1x16xi32, #tpu.memory_space<hbm>> -> memref<16xi32, #tpu.memory_space<hbm>>
          tpu.enqueue_dma source(%dma_start3A_305 : memref<16xi32, #tpu.memory_space<hbm>>) target(%dma_start3A_302 : memref<16xi32, #tpu.memory_space<vmem>>) target_semaphore(%arg27 : memref<!tpu.dma_semaphore, #tpu.memory_space<semaphore_mem>>)
          %dma_start3A_306 = arith.constant 16 : i32
          %dma_start3A_307 = tpu.memref_slice %arg12[%dma_start3A_306] : memref<56xi32, #tpu.memory_space<vmem>> -> memref<40xi32, #tpu.memory_space<vmem>>
          %dma_start3A_308 = arith.constant 0 : i32
          %dma_start3A_309 = tpu.memref_slice %arg4[%dma_start3A_308] : memref<2560xi32, #tpu.memory_space<hbm>> -> memref<40xi32, #tpu.memory_space<hbm>>
          %dma_start3A_310 = arith.constant 16 : i32
          %dma_start3A_311 = tpu.memref_slice %arg12[%dma_start3A_310] : memref<56xi32, #tpu.memory_space<vmem>> -> memref<40xi32, #tpu.memory_space<vmem>>
          %dma_start3A_312 = arith.constant 0 : i32
          %dma_start3A_313 = tpu.memref_slice %arg4[%dma_start3A_312] : memref<2560xi32, #tpu.memory_space<hbm>> -> memref<40xi32, #tpu.memory_space<hbm>>
          tpu.enqueue_dma source(%dma_start3A_313 : memref<40xi32, #tpu.memory_space<hbm>>) target(%dma_start3A_311 : memref<40xi32, #tpu.memory_space<vmem>>) target_semaphore(%arg27 : memref<!tpu.dma_semaphore, #tpu.memory_space<semaphore_mem>>)
        } else {
        }
        %mul3A_289 = arith.constant 56 : i32
        %mul3A_290 = arith.muli %add3A_263, %mul3A_289 : i32
        %dma_start3A_291 = tpu.memref_slice %arg9[%mul3A_290] : memref<10080xi32, #tpu.memory_space<vmem>> -> memref<56xi32, #tpu.memory_space<vmem>>
        %dma_start3A_292 = arith.constant 0 : i32
        %dma_start3A_293 = arith.constant 0 : i32
        %dma_start3A_294 = tpu.memref_slice %arg2[%dma_start3A_292, %dma_start3A_293] : memref<10000x128xf32, #tpu.memory_space<hbm>> -> memref<10000x128xf32, #tpu.memory_space<hbm>>
        tpu.enqueue_indirect_dma source(%dma_start3A_294 : memref<10000x128xf32, #tpu.memory_space<hbm>>) target(%arg17 : memref<56x128xf32, #tpu.memory_space<vmem>>) offsets(%dma_start3A_291 : memref<56xi32, #tpu.memory_space<vmem>>) semaphore(%arg22 : memref<!tpu.dma_semaphore, #tpu.memory_space<semaphore_mem>>)
      } else {
      }
      %mul3A_220 = arith.constant 5 : i32
      %mul3A_221 = arith.muli %scan3A_157, %mul3A_220 : i32
      %add3A_222 = arith.constant 3 : i32
      %add3A_223 = arith.addi %mul3A_221, %add3A_222 : i32
      %mul3A_224 = arith.constant 56 : i32
      %mul3A_225 = arith.muli %add3A_223, %mul3A_224 : i32
      %dma_wait3A_226 = tpu.memref_slice %arg9[%mul3A_225] : memref<10080xi32, #tpu.memory_space<vmem>> -> memref<56xi32, #tpu.memory_space<vmem>>
      %dma_wait3A_227 = arith.constant 0 : i32
      %dma_wait3A_228 = arith.constant 0 : i32
      %dma_wait3A_229 = tpu.memref_slice %arg2[%dma_wait3A_227, %dma_wait3A_228] : memref<10000x128xf32, #tpu.memory_space<hbm>> -> memref<10000x128xf32, #tpu.memory_space<hbm>>
      tpu.wait_indirect_dma semaphore(%arg23 : memref<!tpu.dma_semaphore, #tpu.memory_space<semaphore_mem>>) src(%dma_wait3A_229 : memref<10000x128xf32, #tpu.memory_space<hbm>>) dst(%arg18 : memref<56x128xf32, #tpu.memory_space<vmem>>)
      %dma_wait3A_230 = arith.constant 0 : i32
      %dma_wait3A_231 = tpu.memref_slice %arg4[%dma_wait3A_230] : memref<2560xi32, #tpu.memory_space<hbm>> -> memref<56xi32, #tpu.memory_space<hbm>>
      %dma_wait3A_232 = arith.constant 0 : i32
      %dma_wait3A_233 = tpu.memref_slice %arg4[%dma_wait3A_232] : memref<2560xi32, #tpu.memory_space<hbm>> -> memref<56xi32, #tpu.memory_space<hbm>>
      tpu.wait_dma2 semaphore(%arg28 : memref<!tpu.dma_semaphore, #tpu.memory_space<semaphore_mem>>) src(%dma_wait3A_233 : memref<56xi32, #tpu.memory_space<hbm>>) dst(%arg13 : memref<56xi32, #tpu.memory_space<vmem>>)
      "tpu.region"() ({
        %run_scoped3A = tpu.sem_alloc : memref<!tpu.dma_semaphore, #tpu.memory_space<semaphore_mem>>
        %dma_start3A_262 = arith.constant 0 : i32
        %dma_start3A_263 = arith.constant 0 : i32
        %dma_start3A_264 = tpu.memref_slice %arg8[%dma_start3A_262, %dma_start3A_263] : memref<10112x128xf32, #tpu.memory_space<vmem_shared>> -> memref<10112x128xf32, #tpu.memory_space<vmem_shared>>
        tpu.enqueue_indirect_dma source(%arg18 : memref<56x128xf32, #tpu.memory_space<vmem>>) target(%dma_start3A_264 : memref<10112x128xf32, #tpu.memory_space<vmem_shared>>) offsets(%arg13 : memref<56xi32, #tpu.memory_space<vmem>>) semaphore(%run_scoped3A : memref<!tpu.dma_semaphore, #tpu.memory_space<semaphore_mem>>) {add = true}
        %dma_wait3A_265 = arith.constant 0 : i32
        %dma_wait3A_266 = arith.constant 0 : i32
        %dma_wait3A_267 = tpu.memref_slice %arg8[%dma_wait3A_265, %dma_wait3A_266] : memref<10112x128xf32, #tpu.memory_space<vmem_shared>> -> memref<10112x128xf32, #tpu.memory_space<vmem_shared>>
        tpu.wait_indirect_dma semaphore(%run_scoped3A : memref<!tpu.dma_semaphore, #tpu.memory_space<semaphore_mem>>) src(%arg18 : memref<56x128xf32, #tpu.memory_space<vmem>>) dst(%dma_wait3A_267 : memref<10112x128xf32, #tpu.memory_space<vmem_shared>>)
        tpu.yield
      }) : () -> ()
      %add3A_234 = arith.constant 5 : i32
      %add3A_235 = arith.addi %add3A_223, %add3A_234 : i32
      %lt3A_236 = arith.constant 180 : i32
      %lt3A_237 = arith.cmpi slt, %add3A_235, %lt3A_236 : i32
      %convert_element_type3A_238 = arith.extui %lt3A_237 : i1 to i32
      %cond3A_239 = arith.constant 0 : i32
      %cond3A_240 = arith.cmpi ne, %convert_element_type3A_238, %cond3A_239 : i32
      scf.if %cond3A_240 {
        %add3A_262 = arith.constant 5 : i32
        %add3A_263 = arith.addi %add3A_223, %add3A_262 : i32
        %mul3A_264 = arith.constant 56 : i32
        %mul3A_265 = arith.muli %add3A_263, %mul3A_264 : i32
        %add3A_266 = arith.addi %mul3A_2, %mul3A_265 : i32
        %add3A_267 = arith.constant 56 : i32
        %add3A_268 = arith.addi %add3A_266, %add3A_267 : i32
        %le3A_269 = arith.constant 320000 : i32
        %le3A_270 = arith.cmpi sle, %add3A_268, %le3A_269 : i32
        %convert_element_type3A_271 = arith.extui %le3A_270 : i1 to i32
        %cond3A_272 = arith.constant 0 : i32
        %cond3A_273 = arith.cmpi ne, %convert_element_type3A_271, %cond3A_272 : i32
        scf.if %cond3A_273 {
          %dma_start3A_295 = arith.constant 0 : i32
          %dma_start3A_296 = tpu.memref_slice %arg3[%dma_start3A_295, %add3A_266] : memref<2x320000xi32, #tpu.memory_space<hbm>> -> memref<1x56xi32, #tpu.memory_space<hbm>>
          %dma_start3A_297 = tpu.memref_squeeze %dma_start3A_296 : memref<1x56xi32, #tpu.memory_space<hbm>> -> memref<56xi32, #tpu.memory_space<hbm>>
          %dma_start3A_298 = tpu.memref_slice %arg3[%dma_start3A_295, %add3A_266] : memref<2x320000xi32, #tpu.memory_space<hbm>> -> memref<1x56xi32, #tpu.memory_space<hbm>>
          %dma_start3A_299 = tpu.memref_squeeze %dma_start3A_298 : memref<1x56xi32, #tpu.memory_space<hbm>> -> memref<56xi32, #tpu.memory_space<hbm>>
          tpu.enqueue_dma source(%dma_start3A_299 : memref<56xi32, #tpu.memory_space<hbm>>) target(%arg13 : memref<56xi32, #tpu.memory_space<vmem>>) target_semaphore(%arg28 : memref<!tpu.dma_semaphore, #tpu.memory_space<semaphore_mem>>)
        } else {
        }
        %ge3A_274 = arith.constant 320000 : i32
        %ge3A_275 = arith.cmpi sge, %add3A_266, %ge3A_274 : i32
        %convert_element_type3A_276 = arith.extui %ge3A_275 : i1 to i32
        %cond3A_277 = arith.constant 0 : i32
        %cond3A_278 = arith.cmpi ne, %convert_element_type3A_276, %cond3A_277 : i32
        scf.if %cond3A_278 {
          %sub3A = arith.constant 320000 : i32
          %sub3A_295 = arith.subi %add3A_266, %sub3A : i32
          %dma_start3A_296 = tpu.memref_slice %arg4[%sub3A_295] : memref<2560xi32, #tpu.memory_space<hbm>> -> memref<56xi32, #tpu.memory_space<hbm>>
          %dma_start3A_297 = tpu.memref_slice %arg4[%sub3A_295] : memref<2560xi32, #tpu.memory_space<hbm>> -> memref<56xi32, #tpu.memory_space<hbm>>
          tpu.enqueue_dma source(%dma_start3A_297 : memref<56xi32, #tpu.memory_space<hbm>>) target(%arg13 : memref<56xi32, #tpu.memory_space<vmem>>) target_semaphore(%arg28 : memref<!tpu.dma_semaphore, #tpu.memory_space<semaphore_mem>>)
        } else {
        }
        %lt3A_279 = arith.constant 320000 : i32
        %lt3A_280 = arith.cmpi slt, %add3A_266, %lt3A_279 : i32
        %add3A_281 = arith.constant 56 : i32
        %add3A_282 = arith.addi %add3A_266, %add3A_281 : i32
        %gt3A_283 = arith.constant 320000 : i32
        %gt3A_284 = arith.cmpi sgt, %add3A_282, %gt3A_283 : i32
        %and3A_285 = arith.andi %lt3A_280, %gt3A_284 : i1
        %convert_element_type3A_286 = arith.extui %and3A_285 : i1 to i32
        %cond3A_287 = arith.constant 0 : i32
        %cond3A_288 = arith.cmpi ne, %convert_element_type3A_286, %cond3A_287 : i32
        scf.if %cond3A_288 {
          %dma_start3A_295 = arith.constant 0 : i32
          %dma_start3A_296 = arith.constant 0 : i32
          %dma_start3A_297 = tpu.memref_slice %arg13[%dma_start3A_296] : memref<56xi32, #tpu.memory_space<vmem>> -> memref<16xi32, #tpu.memory_space<vmem>>
          %dma_start3A_298 = arith.constant 319984 : i32
          %dma_start3A_299 = tpu.memref_slice %arg3[%dma_start3A_295, %dma_start3A_298] : memref<2x320000xi32, #tpu.memory_space<hbm>> -> memref<1x16xi32, #tpu.memory_space<hbm>>
          %dma_start3A_300 = tpu.memref_squeeze %dma_start3A_299 : memref<1x16xi32, #tpu.memory_space<hbm>> -> memref<16xi32, #tpu.memory_space<hbm>>
          %dma_start3A_301 = arith.constant 0 : i32
          %dma_start3A_302 = tpu.memref_slice %arg13[%dma_start3A_301] : memref<56xi32, #tpu.memory_space<vmem>> -> memref<16xi32, #tpu.memory_space<vmem>>
          %dma_start3A_303 = arith.constant 319984 : i32
          %dma_start3A_304 = tpu.memref_slice %arg3[%dma_start3A_295, %dma_start3A_303] : memref<2x320000xi32, #tpu.memory_space<hbm>> -> memref<1x16xi32, #tpu.memory_space<hbm>>
          %dma_start3A_305 = tpu.memref_squeeze %dma_start3A_304 : memref<1x16xi32, #tpu.memory_space<hbm>> -> memref<16xi32, #tpu.memory_space<hbm>>
          tpu.enqueue_dma source(%dma_start3A_305 : memref<16xi32, #tpu.memory_space<hbm>>) target(%dma_start3A_302 : memref<16xi32, #tpu.memory_space<vmem>>) target_semaphore(%arg28 : memref<!tpu.dma_semaphore, #tpu.memory_space<semaphore_mem>>)
          %dma_start3A_306 = arith.constant 16 : i32
          %dma_start3A_307 = tpu.memref_slice %arg13[%dma_start3A_306] : memref<56xi32, #tpu.memory_space<vmem>> -> memref<40xi32, #tpu.memory_space<vmem>>
          %dma_start3A_308 = arith.constant 0 : i32
          %dma_start3A_309 = tpu.memref_slice %arg4[%dma_start3A_308] : memref<2560xi32, #tpu.memory_space<hbm>> -> memref<40xi32, #tpu.memory_space<hbm>>
          %dma_start3A_310 = arith.constant 16 : i32
          %dma_start3A_311 = tpu.memref_slice %arg13[%dma_start3A_310] : memref<56xi32, #tpu.memory_space<vmem>> -> memref<40xi32, #tpu.memory_space<vmem>>
          %dma_start3A_312 = arith.constant 0 : i32
          %dma_start3A_313 = tpu.memref_slice %arg4[%dma_start3A_312] : memref<2560xi32, #tpu.memory_space<hbm>> -> memref<40xi32, #tpu.memory_space<hbm>>
          tpu.enqueue_dma source(%dma_start3A_313 : memref<40xi32, #tpu.memory_space<hbm>>) target(%dma_start3A_311 : memref<40xi32, #tpu.memory_space<vmem>>) target_semaphore(%arg28 : memref<!tpu.dma_semaphore, #tpu.memory_space<semaphore_mem>>)
        } else {
        }
        %mul3A_289 = arith.constant 56 : i32
        %mul3A_290 = arith.muli %add3A_263, %mul3A_289 : i32
        %dma_start3A_291 = tpu.memref_slice %arg9[%mul3A_290] : memref<10080xi32, #tpu.memory_space<vmem>> -> memref<56xi32, #tpu.memory_space<vmem>>
        %dma_start3A_292 = arith.constant 0 : i32
        %dma_start3A_293 = arith.constant 0 : i32
        %dma_start3A_294 = tpu.memref_slice %arg2[%dma_start3A_292, %dma_start3A_293] : memref<10000x128xf32, #tpu.memory_space<hbm>> -> memref<10000x128xf32, #tpu.memory_space<hbm>>
        tpu.enqueue_indirect_dma source(%dma_start3A_294 : memref<10000x128xf32, #tpu.memory_space<hbm>>) target(%arg18 : memref<56x128xf32, #tpu.memory_space<vmem>>) offsets(%dma_start3A_291 : memref<56xi32, #tpu.memory_space<vmem>>) semaphore(%arg23 : memref<!tpu.dma_semaphore, #tpu.memory_space<semaphore_mem>>)
      } else {
      }
      %mul3A_241 = arith.constant 5 : i32
      %mul3A_242 = arith.muli %scan3A_157, %mul3A_241 : i32
      %add3A_243 = arith.constant 4 : i32
      %add3A_244 = arith.addi %mul3A_242, %add3A_243 : i32
      %mul3A_245 = arith.constant 56 : i32
      %mul3A_246 = arith.muli %add3A_244, %mul3A_245 : i32
      %dma_wait3A_247 = tpu.memref_slice %arg9[%mul3A_246] : memref<10080xi32, #tpu.memory_space<vmem>> -> memref<56xi32, #tpu.memory_space<vmem>>
      %dma_wait3A_248 = arith.constant 0 : i32
      %dma_wait3A_249 = arith.constant 0 : i32
      %dma_wait3A_250 = tpu.memref_slice %arg2[%dma_wait3A_248, %dma_wait3A_249] : memref<10000x128xf32, #tpu.memory_space<hbm>> -> memref<10000x128xf32, #tpu.memory_space<hbm>>
      tpu.wait_indirect_dma semaphore(%arg24 : memref<!tpu.dma_semaphore, #tpu.memory_space<semaphore_mem>>) src(%dma_wait3A_250 : memref<10000x128xf32, #tpu.memory_space<hbm>>) dst(%arg19 : memref<56x128xf32, #tpu.memory_space<vmem>>)
      %dma_wait3A_251 = arith.constant 0 : i32
      %dma_wait3A_252 = tpu.memref_slice %arg4[%dma_wait3A_251] : memref<2560xi32, #tpu.memory_space<hbm>> -> memref<56xi32, #tpu.memory_space<hbm>>
      %dma_wait3A_253 = arith.constant 0 : i32
      %dma_wait3A_254 = tpu.memref_slice %arg4[%dma_wait3A_253] : memref<2560xi32, #tpu.memory_space<hbm>> -> memref<56xi32, #tpu.memory_space<hbm>>
      tpu.wait_dma2 semaphore(%arg29 : memref<!tpu.dma_semaphore, #tpu.memory_space<semaphore_mem>>) src(%dma_wait3A_254 : memref<56xi32, #tpu.memory_space<hbm>>) dst(%arg14 : memref<56xi32, #tpu.memory_space<vmem>>)
      "tpu.region"() ({
        %run_scoped3A = tpu.sem_alloc : memref<!tpu.dma_semaphore, #tpu.memory_space<semaphore_mem>>
        %dma_start3A_262 = arith.constant 0 : i32
        %dma_start3A_263 = arith.constant 0 : i32
        %dma_start3A_264 = tpu.memref_slice %arg8[%dma_start3A_262, %dma_start3A_263] : memref<10112x128xf32, #tpu.memory_space<vmem_shared>> -> memref<10112x128xf32, #tpu.memory_space<vmem_shared>>
        tpu.enqueue_indirect_dma source(%arg19 : memref<56x128xf32, #tpu.memory_space<vmem>>) target(%dma_start3A_264 : memref<10112x128xf32, #tpu.memory_space<vmem_shared>>) offsets(%arg14 : memref<56xi32, #tpu.memory_space<vmem>>) semaphore(%run_scoped3A : memref<!tpu.dma_semaphore, #tpu.memory_space<semaphore_mem>>) {add = true}
        %dma_wait3A_265 = arith.constant 0 : i32
        %dma_wait3A_266 = arith.constant 0 : i32
        %dma_wait3A_267 = tpu.memref_slice %arg8[%dma_wait3A_265, %dma_wait3A_266] : memref<10112x128xf32, #tpu.memory_space<vmem_shared>> -> memref<10112x128xf32, #tpu.memory_space<vmem_shared>>
        tpu.wait_indirect_dma semaphore(%run_scoped3A : memref<!tpu.dma_semaphore, #tpu.memory_space<semaphore_mem>>) src(%arg19 : memref<56x128xf32, #tpu.memory_space<vmem>>) dst(%dma_wait3A_267 : memref<10112x128xf32, #tpu.memory_space<vmem_shared>>)
        tpu.yield
      }) : () -> ()
      %add3A_255 = arith.constant 5 : i32
      %add3A_256 = arith.addi %add3A_244, %add3A_255 : i32
      %lt3A_257 = arith.constant 180 : i32
      %lt3A_258 = arith.cmpi slt, %add3A_256, %lt3A_257 : i32
      %convert_element_type3A_259 = arith.extui %lt3A_258 : i1 to i32
      %cond3A_260 = arith.constant 0 : i32
      %cond3A_261 = arith.cmpi ne, %convert_element_type3A_259, %cond3A_260 : i32
      scf.if %cond3A_261 {
        %add3A_262 = arith.constant 5 : i32
        %add3A_263 = arith.addi %add3A_244, %add3A_262 : i32
        %mul3A_264 = arith.constant 56 : i32
        %mul3A_265 = arith.muli %add3A_263, %mul3A_264 : i32
        %add3A_266 = arith.addi %mul3A_2, %mul3A_265 : i32
        %add3A_267 = arith.constant 56 : i32
        %add3A_268 = arith.addi %add3A_266, %add3A_267 : i32
        %le3A_269 = arith.constant 320000 : i32
        %le3A_270 = arith.cmpi sle, %add3A_268, %le3A_269 : i32
        %convert_element_type3A_271 = arith.extui %le3A_270 : i1 to i32
        %cond3A_272 = arith.constant 0 : i32
        %cond3A_273 = arith.cmpi ne, %convert_element_type3A_271, %cond3A_272 : i32
        scf.if %cond3A_273 {
          %dma_start3A_295 = arith.constant 0 : i32
          %dma_start3A_296 = tpu.memref_slice %arg3[%dma_start3A_295, %add3A_266] : memref<2x320000xi32, #tpu.memory_space<hbm>> -> memref<1x56xi32, #tpu.memory_space<hbm>>
          %dma_start3A_297 = tpu.memref_squeeze %dma_start3A_296 : memref<1x56xi32, #tpu.memory_space<hbm>> -> memref<56xi32, #tpu.memory_space<hbm>>
          %dma_start3A_298 = tpu.memref_slice %arg3[%dma_start3A_295, %add3A_266] : memref<2x320000xi32, #tpu.memory_space<hbm>> -> memref<1x56xi32, #tpu.memory_space<hbm>>
          %dma_start3A_299 = tpu.memref_squeeze %dma_start3A_298 : memref<1x56xi32, #tpu.memory_space<hbm>> -> memref<56xi32, #tpu.memory_space<hbm>>
          tpu.enqueue_dma source(%dma_start3A_299 : memref<56xi32, #tpu.memory_space<hbm>>) target(%arg14 : memref<56xi32, #tpu.memory_space<vmem>>) target_semaphore(%arg29 : memref<!tpu.dma_semaphore, #tpu.memory_space<semaphore_mem>>)
        } else {
        }
        %ge3A_274 = arith.constant 320000 : i32
        %ge3A_275 = arith.cmpi sge, %add3A_266, %ge3A_274 : i32
        %convert_element_type3A_276 = arith.extui %ge3A_275 : i1 to i32
        %cond3A_277 = arith.constant 0 : i32
        %cond3A_278 = arith.cmpi ne, %convert_element_type3A_276, %cond3A_277 : i32
        scf.if %cond3A_278 {
          %sub3A = arith.constant 320000 : i32
          %sub3A_295 = arith.subi %add3A_266, %sub3A : i32
          %dma_start3A_296 = tpu.memref_slice %arg4[%sub3A_295] : memref<2560xi32, #tpu.memory_space<hbm>> -> memref<56xi32, #tpu.memory_space<hbm>>
          %dma_start3A_297 = tpu.memref_slice %arg4[%sub3A_295] : memref<2560xi32, #tpu.memory_space<hbm>> -> memref<56xi32, #tpu.memory_space<hbm>>
          tpu.enqueue_dma source(%dma_start3A_297 : memref<56xi32, #tpu.memory_space<hbm>>) target(%arg14 : memref<56xi32, #tpu.memory_space<vmem>>) target_semaphore(%arg29 : memref<!tpu.dma_semaphore, #tpu.memory_space<semaphore_mem>>)
        } else {
        }
        %lt3A_279 = arith.constant 320000 : i32
        %lt3A_280 = arith.cmpi slt, %add3A_266, %lt3A_279 : i32
        %add3A_281 = arith.constant 56 : i32
        %add3A_282 = arith.addi %add3A_266, %add3A_281 : i32
        %gt3A_283 = arith.constant 320000 : i32
        %gt3A_284 = arith.cmpi sgt, %add3A_282, %gt3A_283 : i32
        %and3A_285 = arith.andi %lt3A_280, %gt3A_284 : i1
        %convert_element_type3A_286 = arith.extui %and3A_285 : i1 to i32
        %cond3A_287 = arith.constant 0 : i32
        %cond3A_288 = arith.cmpi ne, %convert_element_type3A_286, %cond3A_287 : i32
        scf.if %cond3A_288 {
          %dma_start3A_295 = arith.constant 0 : i32
          %dma_start3A_296 = arith.constant 0 : i32
          %dma_start3A_297 = tpu.memref_slice %arg14[%dma_start3A_296] : memref<56xi32, #tpu.memory_space<vmem>> -> memref<16xi32, #tpu.memory_space<vmem>>
          %dma_start3A_298 = arith.constant 319984 : i32
          %dma_start3A_299 = tpu.memref_slice %arg3[%dma_start3A_295, %dma_start3A_298] : memref<2x320000xi32, #tpu.memory_space<hbm>> -> memref<1x16xi32, #tpu.memory_space<hbm>>
          %dma_start3A_300 = tpu.memref_squeeze %dma_start3A_299 : memref<1x16xi32, #tpu.memory_space<hbm>> -> memref<16xi32, #tpu.memory_space<hbm>>
          %dma_start3A_301 = arith.constant 0 : i32
          %dma_start3A_302 = tpu.memref_slice %arg14[%dma_start3A_301] : memref<56xi32, #tpu.memory_space<vmem>> -> memref<16xi32, #tpu.memory_space<vmem>>
          %dma_start3A_303 = arith.constant 319984 : i32
          %dma_start3A_304 = tpu.memref_slice %arg3[%dma_start3A_295, %dma_start3A_303] : memref<2x320000xi32, #tpu.memory_space<hbm>> -> memref<1x16xi32, #tpu.memory_space<hbm>>
          %dma_start3A_305 = tpu.memref_squeeze %dma_start3A_304 : memref<1x16xi32, #tpu.memory_space<hbm>> -> memref<16xi32, #tpu.memory_space<hbm>>
          tpu.enqueue_dma source(%dma_start3A_305 : memref<16xi32, #tpu.memory_space<hbm>>) target(%dma_start3A_302 : memref<16xi32, #tpu.memory_space<vmem>>) target_semaphore(%arg29 : memref<!tpu.dma_semaphore, #tpu.memory_space<semaphore_mem>>)
          %dma_start3A_306 = arith.constant 16 : i32
          %dma_start3A_307 = tpu.memref_slice %arg14[%dma_start3A_306] : memref<56xi32, #tpu.memory_space<vmem>> -> memref<40xi32, #tpu.memory_space<vmem>>
          %dma_start3A_308 = arith.constant 0 : i32
          %dma_start3A_309 = tpu.memref_slice %arg4[%dma_start3A_308] : memref<2560xi32, #tpu.memory_space<hbm>> -> memref<40xi32, #tpu.memory_space<hbm>>
          %dma_start3A_310 = arith.constant 16 : i32
          %dma_start3A_311 = tpu.memref_slice %arg14[%dma_start3A_310] : memref<56xi32, #tpu.memory_space<vmem>> -> memref<40xi32, #tpu.memory_space<vmem>>
          %dma_start3A_312 = arith.constant 0 : i32
          %dma_start3A_313 = tpu.memref_slice %arg4[%dma_start3A_312] : memref<2560xi32, #tpu.memory_space<hbm>> -> memref<40xi32, #tpu.memory_space<hbm>>
          tpu.enqueue_dma source(%dma_start3A_313 : memref<40xi32, #tpu.memory_space<hbm>>) target(%dma_start3A_311 : memref<40xi32, #tpu.memory_space<vmem>>) target_semaphore(%arg29 : memref<!tpu.dma_semaphore, #tpu.memory_space<semaphore_mem>>)
        } else {
        }
        %mul3A_289 = arith.constant 56 : i32
        %mul3A_290 = arith.muli %add3A_263, %mul3A_289 : i32
        %dma_start3A_291 = tpu.memref_slice %arg9[%mul3A_290] : memref<10080xi32, #tpu.memory_space<vmem>> -> memref<56xi32, #tpu.memory_space<vmem>>
        %dma_start3A_292 = arith.constant 0 : i32
        %dma_start3A_293 = arith.constant 0 : i32
        %dma_start3A_294 = tpu.memref_slice %arg2[%dma_start3A_292, %dma_start3A_293] : memref<10000x128xf32, #tpu.memory_space<hbm>> -> memref<10000x128xf32, #tpu.memory_space<hbm>>
        tpu.enqueue_indirect_dma source(%dma_start3A_294 : memref<10000x128xf32, #tpu.memory_space<hbm>>) target(%arg19 : memref<56x128xf32, #tpu.memory_space<vmem>>) offsets(%dma_start3A_291 : memref<56xi32, #tpu.memory_space<vmem>>) semaphore(%arg24 : memref<!tpu.dma_semaphore, #tpu.memory_space<semaphore_mem>>)
      } else {
      }
    }
    %scan3A_155 = arith.constant 36 : i32
    %barrier3A_156 = arith.constant 0 : index
    tpu.barrier barrier_id(%barrier3A_156)
    "tpu.region"() ({
      %run_scoped3A = tpu.sem_alloc : memref<!tpu.dma_semaphore, #tpu.memory_space<semaphore_mem>>
      %dma_start3A_157 = arith.constant 0 : i32
      %dma_start3A_158 = tpu.memref_slice %arg7[%arg0, %mul3A_150, %dma_start3A_157] : memref<2x10112x128xf32, #tpu.memory_space<hbm>> -> memref<1x632x128xf32, #tpu.memory_space<hbm>>
      %dma_start3A_159 = tpu.memref_squeeze %dma_start3A_158 : memref<1x632x128xf32, #tpu.memory_space<hbm>> -> memref<632x128xf32, #tpu.memory_space<hbm>>
      %dma_start3A_160 = arith.constant 0 : i32
      %dma_start3A_161 = tpu.memref_slice %arg8[%mul3A_150, %dma_start3A_160] : memref<10112x128xf32, #tpu.memory_space<vmem_shared>> -> memref<632x128xf32, #tpu.memory_space<vmem_shared>>
      tpu.enqueue_dma source(%dma_start3A_161 : memref<632x128xf32, #tpu.memory_space<vmem_shared>>) target(%dma_start3A_159 : memref<632x128xf32, #tpu.memory_space<hbm>>) target_semaphore(%run_scoped3A : memref<!tpu.dma_semaphore, #tpu.memory_space<semaphore_mem>>)
      %dma_wait3A = arith.constant 0 : i32
      %dma_wait3A_162 = tpu.memref_slice %arg7[%arg0, %mul3A_150, %dma_wait3A] : memref<2x10112x128xf32, #tpu.memory_space<hbm>> -> memref<1x632x128xf32, #tpu.memory_space<hbm>>
      %dma_wait3A_163 = tpu.memref_squeeze %dma_wait3A_162 : memref<1x632x128xf32, #tpu.memory_space<hbm>> -> memref<632x128xf32, #tpu.memory_space<hbm>>
      %dma_wait3A_164 = arith.constant 0 : i32
      %dma_wait3A_165 = tpu.memref_slice %arg8[%mul3A_150, %dma_wait3A_164] : memref<10112x128xf32, #tpu.memory_space<vmem_shared>> -> memref<632x128xf32, #tpu.memory_space<vmem_shared>>
      tpu.wait_dma2 semaphore(%run_scoped3A : memref<!tpu.dma_semaphore, #tpu.memory_space<semaphore_mem>>) src(%dma_wait3A_165 : memref<632x128xf32, #tpu.memory_space<vmem_shared>>) dst(%dma_wait3A_163 : memref<632x128xf32, #tpu.memory_space<hbm>>)
      tpu.yield
    }) : () -> ()
    return
  }
}

module attributes {stable_mosaic.version = 14 : i64} {
  func.func @add_k(%arg0: i32, %arg1: memref<2x2000x128xf32, #tpu.memory_space<vmem>>, %arg2: memref<2000x128xf32, #tpu.memory_space<vmem>>) attributes {dimension_semantics = [#tpu.dimension_semantics<arbitrary>], iteration_bounds = array<i64: 5>, scalar_prefetch = 0 : i64, scratch_operands = 0 : i64, tpu.core_type = #tpu.core_type<tc>, window_params = [{transform_indices = @transform_0, window_bounds = array<i64: 2, 2000, 128>}, {transform_indices = @transform_1, window_bounds = array<i64: 2000, 128>}]} {
    %get3A = arith.constant 0 : index
    %get3A_0 = arith.constant 0 : index
    %get3A_1 = arith.constant 0 : index
    %get3A_2 = vector.load %arg1[%get3A, %get3A_0, %get3A_1] : memref<2x2000x128xf32, #tpu.memory_space<vmem>>, vector<1x2000x128xf32>
    %get3A_3 = vector.shape_cast %get3A_2 : vector<1x2000x128xf32> to vector<2000x128xf32>
    %get3A_4 = arith.constant 1 : index
    %get3A_5 = arith.constant 0 : index
    %get3A_6 = arith.constant 0 : index
    %get3A_7 = vector.load %arg1[%get3A_4, %get3A_5, %get3A_6] : memref<2x2000x128xf32, #tpu.memory_space<vmem>>, vector<1x2000x128xf32>
    %get3A_8 = vector.shape_cast %get3A_7 : vector<1x2000x128xf32> to vector<2000x128xf32>
    %add3A = arith.addf %get3A_3, %get3A_8 : vector<2000x128xf32>
    %swap3A = arith.constant 0 : index
    %swap3A_9 = arith.constant 0 : index
    %swap3A_10 = vector.load %arg2[%swap3A, %swap3A_9] : memref<2000x128xf32, #tpu.memory_space<vmem>>, vector<2000x128xf32>
    tpu.vector_store %arg2[%swap3A, %swap3A_9], %add3A {strides = array<i32>} : memref<2000x128xf32, #tpu.memory_space<vmem>>, vector<2000x128xf32>,
    return
  }
  func.func @transform_0(%arg0: i32) -> (i32, i32, i32) {
    %c0_i32 = arith.constant 0 : i32
    %c0_i32_0 = arith.constant 0 : i32
    %c0_i32_1 = arith.constant 0 : i32
    return %c0_i32, %arg0, %c0_i32_0 : i32, i32, i32
  }
  func.func @transform_1(%arg0: i32) -> (i32, i32) {
    %c0_i32 = arith.constant 0 : i32
    %c0_i32_0 = arith.constant 0 : i32
    return %arg0, %c0_i32 : i32, i32
  }
}

</mosaic_0001>

<sc_bundles>
// kernel: kernel.4.cloned.1.call-start
scs
__scs_entry_jumppad:
0x0: {  	(pc) =	sbr.rel $0x88, $3  }
0x1: {  	(tag) =	ssettag $0x0;
	lr =	simm.s32 $0x1  }
0x2: {  	[smem:$0x3F9F] =	sst lr;
	_ =	strace $0xD0000000  }
0x3: {  	_ = 	snop  }
0x4: {  	_ = 	snop  }
0x5: {  	_ = 	snop  }
0x6: {  	_ = 	snop  }
0x7: {  	_ = 	snop  }
__scs_overlays_trampoline_lowered:
0x8: {  	[smem:$0x3FAE] =	sst s0  }
0x9: {  	[smem:$0x3FAF] =	sst s1  }
0xa: {  	[smem:$0x3FB0] =	sst s2  }
0xb: {  	[smem:$0x3FB1] =	sst s3  }
0xc: {  	[smem:$0x3FB2] =	sst s4  }
0xd: {  	[smem:$0x3FB3] =	sst s5  }
0xe: {  	[smem:$0x3FB4] =	sst s6  }
0xf: {  	[smem:$0x3FB5] =	sst s7  }
0x10: {  	[smem:$0x3FB6] =	sst s8  }
0x11: {  	[smem:$0x3FB7] =	sst s9;
	s0 =	simm.s32 @!p0 $0x0  }
0x12: {  	s1 =	sld [smem:$0x3F9D];
	s0 =	simm.s32 @p0 $0x1  }
0x13: {  	[smem:$0x3FB8] =	sst s0;
	s0 =	simm.s32 @!p1 $0x0  }
0x14: {  	s2 =	sld [smem:$0x3F9C];
	s0 =	simm.s32 @p1 $0x1  }
0x15: {  	[smem:$0x3FB9] =	sst s0;
	s0 =	simm.s32 @!p2 $0x0  }
0x16: {  	s3 =	sld [smem:$0x3FDB];
	s0 =	simm.s32 @p2 $0x1  }
0x17: {  	s4 =	simm.s32 $0x1BF5;
	[smem:$0x3FBB] =	sst s0  }
0x18: {  	s0 =	sld [smem:$0x3F9E];
	_ =	swait.ge [sflag:s4], $0x0  }
0x19: {  	s7 =	sld [smem:$0x3F9F]  }
0x1a: {  	s8 =	sadd.s32 $0xFFFFE003, lr  }
0x1b: {  	s9 =	sadd.s32 $0xFFFFFEF7, lr;
	s5 =	simm.s32 $0xFFFFFFFF;
	p2 =	slt.u32 s8, $0xFFFFF086  }
0x1c: {  	p1 =	slt.u32 s9, $0xF7A;
	s5 =	simm.s32 @!p2 $0x0  }
0x1d: {  	s5 =	simm.s32 @p1 $0x1;
	p0 =	seq.s32 s7, s2  }
0x1e: {  	s7 =	smul.u32 @!p0 $0xF7A, s2;
	p2 =	seq.s32 @!p0 s5, $0x0  }
0x1f: {  	s9 =	smul.u32 $0xF7A, s1;
	s8 =	simm.s32 @!p0 $0x1BF5;
	p2 =	por !p2, p0  }
0x20: {  	[sflag:s8] =	ssyncset.s32 @!p0 $0xFFFFF086;
	s6 =	sadd.s32 @!p0 s3, s7;
	s7 =	simm.s32 @!p0 $0x108  }
0x21: {  	s3 =	sadd.s32 s3, s9;
	s6 =	sadd.s32 @!p0 $0x88, s6;
	s7 =	simm.s32 @p2 $0x1082  }
0x22: {  	[simem:s7], [sflag:s8] =	dma.local @!p0 [hbm:s6], $0xF7A  }
0x23: {  	s9 =	sor.u32 $0xD0000000, s2;
	s6 =	simm.s32 $0x108;
	_ =	swait.ge @!p0 [sflag:s8], $0x0  }
0x24: {  	s3 =	sadd.s32 $0x88, s3;
	s6 =	simm.s32 @!p1 $0x1082;
	[sflag:s4] =	ssyncset.s32 $0xFFFFF086  }
0x25: {  	[simem:s6], [sflag:s4] =	dma.local [hbm:s3], $0xF7A  }
0x26: {  	[smem:$0x3F9F] =	sst s1;
	(tag) =	ssettag s2;
	_ =	strace s9  }
0x27: {  	s1 =	sld [smem:$0x3FAF]  }
0x28: {  	s2 =	sld [smem:$0x3FB0]  }
0x29: {  	s4 =	sld [smem:$0x3FB2]  }
0x2a: {  	p0 =	seq.s32 s5, $0x0;
	s5 =	sld [smem:$0x3FB3]  }
0x2b: {  	s6 =	sld [smem:$0x3FB4]  }
0x2c: {  	s7 =	sld [smem:$0x3FB5]  }
0x2d: {  	s3 =	simm.s32 $0x108;
	s8 =	sld [smem:$0x3FB6]  }
0x2e: {  	s3 =	simm.s32 @!p0 $0x1082;
	s9 =	sld [smem:$0x3FB7]  }
0x2f: {  	lr =	sadd.s32 s0, s3;
	s0 =	sld [smem:$0x3FAE]  }
0x30: {  	s3 =	sld [smem:$0x3FB1]  }
0x31: {  	[smem:$0x3FBA] =	sst s10  }
0x32: {  	s10 =	sld [smem:$0x3FB8];
	_ =	sdelay $0x3  }
0x33: {  	p0 =	seq.s32 s10, $0x1;
	s10 =	sld [smem:$0x3FBA];
	_ =	sdelay $0x3  }
0x34: {  	[smem:$0x3FBA] =	sst s10  }
0x35: {  	s10 =	sld [smem:$0x3FB9];
	_ =	sdelay $0x3  }
0x36: {  	p1 =	seq.s32 s10, $0x1;
	s10 =	sld [smem:$0x3FBA];
	_ =	sdelay $0x3  }
0x37: {  	[smem:$0x3FBA] =	sst s10  }
0x38: {  	s10 =	sld [smem:$0x3FBB]  }
0x39: {  	_ = 	snop;
	(pc) =	sbr.ind lr, $3  }
0x3a: {  	_ = 	snop  }
0x3b: {  	_ = 	snop  }
0x3c: {  	p2 =	seq.s32 s10, $0x1;
	s10 =	sld [smem:$0x3FBA]  }
0x3d: {  	_ =	shalt  }
0x3e: {  	_ =	shalt  }
0x3f: {  	_ =	shalt  }
0x40: {  	_ =	shalt  }
0x41: {  	_ =	shalt  }
0x42: {  	_ =	shalt  }
0x43: {  	_ =	shalt  }
0x44: {  	_ =	shalt  }
0x45: {  	_ =	shalt  }
0x46: {  	_ =	shalt  }
0x47: {  	_ =	shalt  }
0x48: {  	_ =	shalt  }
0x49: {  	_ =	shalt  }
0x4a: {  	_ =	shalt  }
0x4b: {  	_ =	shalt  }
0x4c: {  	_ =	shalt  }
0x4d: {  	_ =	shalt  }
0x4e: {  	_ =	shalt  }
0x4f: {  	_ =	shalt  }
0x50: {  	_ =	shalt  }
0x51: {  	_ =	shalt  }
0x52: {  	_ =	shalt  }
0x53: {  	_ =	shalt  }
0x54: {  	_ =	shalt  }
0x55: {  	_ =	shalt  }
0x56: {  	_ =	shalt  }
0x57: {  	_ =	shalt  }
0x58: {  	_ =	shalt  }
0x59: {  	_ =	shalt  }
0x5a: {  	_ =	shalt  }
0x5b: {  	_ =	shalt  }
0x5c: {  	_ =	shalt  }
0x5d: {  	_ =	shalt  }
0x5e: {  	_ =	shalt  }
0x5f: {  	_ =	shalt  }
0x60: {  	_ =	shalt  }
0x61: {  	_ =	shalt  }
0x62: {  	_ =	shalt  }
0x63: {  	_ =	shalt  }
0x64: {  	_ =	shalt  }
0x65: {  	_ =	shalt  }
0x66: {  	_ =	shalt  }
0x67: {  	_ =	shalt  }
0x68: {  	_ =	shalt  }
0x69: {  	_ =	shalt  }
0x6a: {  	_ =	shalt  }
0x6b: {  	_ =	shalt  }
0x6c: {  	_ =	shalt  }
0x6d: {  	_ =	shalt  }
0x6e: {  	_ =	shalt  }
0x6f: {  	_ =	shalt  }
0x70: {  	_ =	shalt  }
0x71: {  	_ =	shalt  }
0x72: {  	_ =	shalt  }
0x73: {  	_ =	shalt  }
0x74: {  	_ =	shalt  }
0x75: {  	_ =	shalt  }
0x76: {  	_ =	shalt  }
0x77: {  	_ =	shalt  }
0x78: {  	_ =	shalt  }
0x79: {  	_ =	shalt  }
0x7a: {  	_ =	shalt  }
0x7b: {  	_ =	shalt  }
0x7c: {  	_ =	shalt  }
0x7d: {  	_ =	shalt  }
0x7e: {  	_ =	shalt  }
0x7f: {  	_ =	shalt  }
0x80: {  	_ =	shalt  }
0x81: {  	_ =	shalt  }
0x82: {  	_ =	shalt  }
0x83: {  	_ =	shalt  }
0x84: {  	_ =	shalt  }
0x85: {  	_ =	shalt  }
0x86: {  	_ =	shalt  }
0x87: {  	_ =	shalt  }
.Lfunc_end0:
.L_simem_size_0:
called_computation_lowered:
.L_overlay_start_0:
0x88: {  	s2 =	sld [smem:$0x3FD9]  }
0x89: {  	s3 =	sld [smem:$0x3FFE];
	_ =	sdelay $0x1  }
0x8a: {  	s1 =	srdreg.scid  }
0x8b: {  	s0 =	sand.u32 $0x1, s1  }
0x8c: {  	s17 =	sshll.u32 s0, $0xA;
	s2 =	sadd.s32 s3, s2  }
0x8d: {  	s2 =	sadd.s32 s2, s17  }
0x8e: {  	[smem:$0x3FC6] =	sst s2  }
0x8f: {  	_ = 	snop  }
0x90: {  	s2 =	sld [smem:$0x3FC9]  }
0x91: {  	s18 =	sld [smem:$0x3FD0];
	(tm) =	ssettm $0x1  }
0x92: {  	s4 =	sld [smem:$0x3FFB];
	_ =	sdelay $0x3  }
0x93: {  	_ =	strace s4  }
0x94: {  	s4 =	sld [smem:$0x3FFC];
	_ =	sdelay $0x3  }
0x95: {  	_ =	strace s4  }
0x96: {  	s4 =	sld [smem:$0x3FFD];
	_ =	sdelay $0x3  }
0x97: {  	_ =	strace s4  }
0x98: {  	_ =	strace $0x8FFFFFFF  }
0x99: {  	s19 =	sld [smem:$0x3FDB];
	_ =	sdelay $0x1  }
0x9a: {  	s5 =	simm.s32 $_scs_section_size  }
0x9b: {  	s6 =	simm.s32 $_size__tile_overlayer_lowered;
	s7 =	simm.s32 $_tile_overlayer_lowered  }
0x9c: {  	s22 =	simm.s32 $0x1BFF;
	s21 =	sshll.u32 s7, $0x1;
	s4 =	sadd.s32 s5, s19  }
0x9d: {  	s8 =	simm.s32 $0x0;
	s20 =	sshll.u32 s6, $0x1;
	s6 =	sadd.s32 s21, s4  }
0x9e: {  	[timem:s8], [sflag:s22] =	dma.local [hbm:s6], s20  }
0x9f: {  	_ =	swait.ge [sflag:s22], s20  }
0xa0: {  	s5 =	ssub.s32 $0x0, s20;
	[sflag:s22] =	ssyncset.done $0x0  }
0xa1: {  	[sflag:s22] =	ssyncadd.s32 s5;
	_ =	sdelay $0x1  }
0xa2: {  	s23 =	simm.s32 $0x1B8B  }
0xa3: {  	_ =	swait.ge [sflag:s23], $0x1  }
0xa4: {  	[sflag:s23] =	ssyncset.done $0x0  }
0xa5: {  	s25 =	simm.s32 $0x1B8E;
	s24 =	sld [smem:$0x3FFE];
	[sflag:s23] =	ssyncadd.s32 $0xFFFFFFFF  }
0xa6: {  	s26 =	simm.s32 $execute0_lowered;
	[smem:$0x3FD2] =	sst s25  }
0xa7: {  	s6 =	sshll.u32 s26, $0x1;
	_ =	strace $0x80000046;
	[dreg:$0x1] =	wrdreg $0xFFFFFFFF  }
0xa8: {  	s28 =	simm.s32 $_size_execute0_lowered;
	s4 =	sadd.s32 s4, s6;
	[dreg:$0x0] =	wrdreg $0x0  }
0xa9: {  	s6 =	sshll.u32 s28, $0x1;
	[dreg:$0x2] =	wrdreg s4  }
0xaa: {  	[dreg:$0x3] =	wrdreg s6  }
0xab: {  	[dreg:$0x4] =	wrdreg $0xC0  }
0xac: {  	_ =	task [dreg:s8], $0x5FFFF  }
0xad: {  	[dreg:$0x1] =	wrdreg $0xFFFFFFFF  }
0xae: {  	[dreg:$0x0] =	wrdreg $0x60  }
0xaf: {  	[dreg:$0x2] =	wrdreg s2  }
0xb0: {  	[dreg:$0x3] =	wrdreg s18  }
0xb1: {  	[dreg:$0x4] =	wrdreg s24  }
0xb2: {  	[dreg:$0x5] =	wrdreg $0x0  }
0xb3: {  	[dreg:$0x6] =	wrdreg $0x9  }
0xb4: {  	_ =	task.clear_ibuf [dreg:s8], $0x7FFFF;
	_ =	strace $0x90000046  }
0xb5: {  	s29 =	simm.s32 $0x9;
	_ =	strace $0x80000048  }
0xb6: {  	_ =	swait.ge [sflag:s29], $0x1  }
0xb7: {  	[sflag:s29] =	ssyncadd.s32 $0xFFFFFFFF  }
0xb8: {  	_ =	strace $0x90000048  }
0xb9: {  	_ =	sfence  }
0xba: {  	s30 =	sld [smem:$0x0];
	_ =	sdelay $0x2  }
0xbb: {  	s31 =	sshll.u32 s1, $0xD;
	s1 =	sshrl.u32 s1, $0x2  }
0xbc: {  	s3 =	sand.u32 $0x4000, s31;
	s1 =	sadd.s32 s1, s30  }
0xbd: {  	s0 =	sor.u32 s3, s0;
	s1 =	sshll.u32 s1, $0x11  }
0xbe: {  	s0 =	sor.u32 s1, s0  }
0xbf: {  	s0 =	sadd.s32 $0x8F2B, s0  }
0xc0: {  	[sflag:s0] =	ssyncadd.remote.s32 $0x1  }
0xc1: {  	_ =	sfence.sel $0xFFFF  }
0xc2: {  	[dreg:$0x0] =	wrdreg $0xFFFFFFFF;
	(pc) =	sbr.abs _section_cstart, $3  }
0xc3: {  	[dreg:$0x1] =	wrdreg $0xFFFFFFFF  }
0xc4: {  	_ =	task.clear_ibuf [dreg:s8], $0x2FFFF;
	_ =	strace $0x9FFFFFFF  }
0xc5: {  	(tm) =	ssettm $0x7FFFFFFF  }
tec
execute0_lowered:
.L_overlay_start_1:
0x0: {  	(tag) =	ssettag $0x1  }
0x1: {  	s1 =	rddreg [dreg:$0x0]  }
0x2: {  	s12 =	rddreg [dreg:$0x1]  }
0x3: {  	s0 =	rddreg [dreg:$0x2]  }
0x4: {  	s4 =	rddreg [dreg:$0x3];
	s2 =	srdreg.scid  }
0x5: {  	s13 =	stileid.u32;
	s6 =	simm.s32 $0x0;
	s29 =	simm.s32 $0x16360  }
0x6: {  	s28 =	simm.s32 $0x16478;
	s31 =	simm.s32 $0x1B878;
	s2 =	sand.u32 $0x1, s2  }
0x7: {  	s3 =	smul.u32 $0x13C00, s13;
	[smem:$0x7FF] =	sst s6;
	s6 =	sadd.s32 $0x800, s0  }
0x8: {  	s9 =	sadd.s32 $0xA00, s0;
	s25 =	sadd.s32 $0xC00, s0;
	s16 =	smul.u32 $0x2760, s13  }
0x9: {  	s5 =	sshll.u32 s2, $0x4;
	_ =	strace $0x80000047;
	[dreg:$0x5] =	wrdreg s9  }
0xa: {  	s7 =	smul.u32 $0x13C000, s2;
	[dreg:$0x6] =	wrdreg s25;
	s26 =	ssub.s32 $0x2, s2  }
0xb: {  	s2 =	smul.u32 $0x27600, s2;
	s5 =	sor.u32 s13, s5;
	s11 =	sshrl.u32 s26, $0x1  }
0xc: {  	s19 =	sadd.s32 s3, s4;
	s13 =	simm.s32 $0x6;
	s8 =	smul.u32 $0x2760, s5  }
0xd: {  	s7 =	sadd.s32 s3, s7;
	s30 =	ssub.s32 s26, s11;
	s11 =	sadd.s32 $0x134D4, s12  }
0xe: {  	s16 =	sadd.s32 s16, s2;
	[dreg:$0xe] =	wrdreg s19;
	p0 =	seq.s32 s5, $0x1F  }
0xf: {  	s19 =	simm.s32 $0x8;
	s7 =	sshrl.u32 s7, $0x3;
	[dreg:$0x9] =	wrdreg s11  }
0x10: {  	s20 =	sadd.s32 $0x1F8, s16;
	s21 =	smax.u32 s30, $0x1;
	s23 =	sadd.s32 $0x1C0, s16  }
0x11: {  	s24 =	sadd.s32 $0x188, s16;
	s25 =	sadd.s32 $0x150, s16;
	s11 =	simm.s32 $0xB  }
0x12: {  	s10 =	sshrl.u32 s8, $0x3;
	s0 =	sadd.s32 s7, s0;
	s15 =	sadd.s32 $0x38, s8  }
0x13: {  	s8 =	sadd.s32 $0xA8, s8;
	[dreg:$0x10] =	wrdreg s21;
	s22 =	sshrl.u32 s20, $0x3  }
0x14: {  	s2 =	sshrl.u32 s24, $0x3;
	s30 =	sshrl.u32 s25, $0x3;
	s7 =	simm.s32 $0x163D0  }
0x15: {  	s20 =	simm.s32 $0x4;
	s21 =	simm.s32 $0x9;
	s14 =	sadd.s32 s12, s10  }
0x16: {  	s9 =	sshrl.u32 s15, $0x3;
	s0 =	sadd.s32 $0x3400, s0;
	[dreg:$0x7] =	wrdreg s14  }
0x17: {  	s8 =	sshrl.u32 s8, $0x3;
	s26 =	sadd.s32 s2, s12;
	[dreg:$0xf] =	wrdreg s0  }
0x18: {  	s15 =	simm.s32 $0x7;
	s10 =	sadd.s32 $0x9C40, s14;
	[dreg:$0x13] =	wrdreg s26  }
0x19: {  	s2 =	simm.s32 $0x0;
	s9 =	sadd.s32 s12, s9;
	[dreg:$0x8] =	wrdreg s10  }
0x1a: {  	s17 =	sadd.s32 $0xE, s14;
	s8 =	sadd.s32 s12, s8;
	[dreg:$0xa] =	wrdreg s9  }
0x1b: {  	s18 =	sadd.s32 $0x1C, s14;
	s0 =	sadd.s32 s22, s12;
	[dreg:$0xb] =	wrdreg s17  }
0x1c: {  	s26 =	simm.s32 $0x38;
	s14 =	simm.s32 $0x2;
	[dreg:$0xc] =	wrdreg s8  }
.Ltmp0:
0x1d: {  	s22 =	simm.s32 $0xA;
	[dreg:$0xd] =	wrdreg s18;
	(pc) =	sbr.rel .LBB2_1-.Ltmp0, $4  }
0x1e: {  	s18 =	sadd.s32 $0x9C3E, s12;
	[dreg:$0x11] =	wrdreg s0;
	s0 =	sshrl.u32 s23, $0x3  }
0x1f: {  	s8 =	simm.s32 $0x19C78;
	s10 =	simm.s32 $0x1D478;
	s0 =	sadd.s32 s0, s12  }
0x20: {  	s17 =	simm.s32 $0x3;
	[dreg:$0x12] =	wrdreg s0;
	s0 =	sadd.s32 s30, s12  }
0x21: {  	s9 =	simm.s32 $0x5;
	s12 =	simm.s32 $0x1;
	[dreg:$0x14] =	wrdreg s0  }
.LBB2_10:
0x22: {  	[bflag:$0x0] =	sbarrier.arrive $0xFFFF  }
0x23: {  	s0 =	rddreg [dreg:$0xf]  }
0x24: {  	s2 =	rddreg [dreg:$0x16]  }
0x25: {  	s3 =	rddreg [dreg:$0x17]  }
0x26: {  	[hbm:s0], [sflag:s2] =	dma.local [spmem:s3], $0x2780  }
0x27: {  	_ =	swait.ge [sflag:s11], $0x2780  }
0x28: {  	s25 =	rddreg [dreg:$0x15]  }
0x29: {  	s30 =	rddreg [dreg:$0x10];
	s2 =	sadd.s32 $0x1, s25  }
0x2a: {  	p1 =	sne.s32 s2, s30  }
.Ltmp1:
0x2b: {  	_ = 	snop;
	(pc) =	sbr.rel @!p1 .LBB2_11-.Ltmp1, $3  }
0x2c: {  	_ =	sdelay $0x1  }
0x2d: {  	[sflag:s11] =	ssyncset.done $0x0  }
0x2e: {  	s8 =	simm.s32 $0x19C78;
	[sflag:s11] =	ssyncadd.s32 $0xFFFFD880  }
.LBB2_1:
0x2f: {  	[dreg:$0x15] =	wrdreg s2  }
0x30: {  	s2 =	simm.s32 @p0 $0x0;
	s5 =	simm.s32 @p0 $0x13C00;
	s0 =	rddreg [dreg:$0x9]  }
0x31: {  	[tilespmem:s5], [sflag:$0xB] =	stream.linear.gather @p0 [hbm4b:s0+s2], $0x1D60, $0x38;
	[tilespmem:$0x1F078] =	vst v63  }
0x32: {  	s5 =	simm.s32 @p0 $0xB  }
0x33: {  	_ =	swait.ge @p0 [sflag:s5], $0x1D60  }
0x34: {  	[sflag:s5] =	ssyncset.done @p0 $0x0  }
0x35: {  	s23 =	simm.s32 @p0 $0x15960;
	s0 =	rddreg [dreg:$0x5];
	[sflag:s5] =	ssyncadd.s32 @p0 $0xFFFFE2A0  }
0x36: {  	[tilespmem:s23], [sflag:$0xB] =	stream.linear.gather @p0 [hbm4b:s0+s2], $0xA00, $0x38;
	[tilespmem:$0x1F078] =	vst v63  }
0x37: {  	_ =	swait.ge @p0 [sflag:s5], $0xA00  }
0x38: {  	s2 =	simm.s32 @!p0 $0x0;
	[sflag:s5] =	ssyncset.done @p0 $0x0  }
0x39: {  	s0 =	rddreg [dreg:$0x8];
	[sflag:s5] =	ssyncadd.s32 @p0 $0xFFFFF600;
	s5 =	simm.s32 @!p0 $0x13C00  }
0x3a: {  	[tilespmem:s5], [sflag:$0xB] =	stream.linear.gather @!p0 [hbm4b:s0+s2], $0x2760, $0x38;
	[tilespmem:$0x1F078] =	vst v63  }
0x3b: {  	s2 =	simm.s32 @!p0 $0xB  }
0x3c: {  	_ =	swait.ge @!p0 [sflag:s2], $0x2760  }
0x3d: {  	[sflag:s2] =	ssyncset.done @!p0 $0x0  }
0x3e: {  	s0 =	simm.s32 $0x0;
	s25 =	rddreg [dreg:$0x7];
	[sflag:s2] =	ssyncadd.s32 @!p0 $0xFFFFD8A0  }
0x3f: {  	[tilespmem:s29], [sflag:$0x6] =	stream.linear.gather [hbm4b:s25+s0], $0x38, $0x38;
	[tilespmem:$0x1F078] =	vst v63  }
0x40: {  	s3 =	simm.s32 $0x13C00  }
0x41: {  	[tilespmem:s28], [sflag:$0x1] =	stream.indirect.gather [hbm4b:s1+s26], $0x80, s3, s26, $0xb8;
	[tilespmem:$0x1F078] =	vst v63  }
0x42: {  	s5 =	rddreg [dreg:$0xa];
	s3 =	simm.s32 $0x16398  }
0x43: {  	[tilespmem:s3], [sflag:$0x7] =	stream.linear.gather [hbm4b:s5+s0], $0x38, $0x38;
	[tilespmem:$0x1F078] =	vst v63  }
0x44: {  	s24 =	simm.s32 $0x18078;
	s23 =	simm.s32 $0x13C38  }
0x45: {  	[tilespmem:s24], [sflag:$0x2] =	stream.indirect.gather [hbm4b:s1+s26], $0x80, s23, s26, $0xb8;
	[tilespmem:$0x1F078] =	vst v63  }
0x46: {  	s25 =	rddreg [dreg:$0xb]  }
0x47: {  	[tilespmem:s7], [sflag:$0x8] =	stream.linear.gather [hbm4b:s25+s0], $0x38, $0x38;
	[tilespmem:$0x1F078] =	vst v63  }
0x48: {  	s3 =	simm.s32 $0x13C70  }
0x49: {  	[tilespmem:s8], [sflag:$0x3] =	stream.indirect.gather [hbm4b:s1+s26], $0x80, s3, s26, $0xb8;
	[tilespmem:$0x1F078] =	vst v63  }
0x4a: {  	s5 =	rddreg [dreg:$0xc];
	s8 =	simm.s32 $0x16408  }
0x4b: {  	[tilespmem:s8], [sflag:$0x9] =	stream.linear.gather [hbm4b:s5+s0], $0x38, $0x38;
	[tilespmem:$0x1F078] =	vst v63  }
0x4c: {  	s23 =	simm.s32 $0x13CA8  }
0x4d: {  	[tilespmem:s31], [sflag:$0x4] =	stream.indirect.gather [hbm4b:s1+s26], $0x80, s23, s26, $0xb8;
	[tilespmem:$0x1F078] =	vst v63  }
0x4e: {  	s24 =	rddreg [dreg:$0xd];
	s25 =	simm.s32 $0x16440  }
0x4f: {  	[tilespmem:s25], [sflag:$0xA] =	stream.linear.gather [hbm4b:s24+s0], $0x38, $0x38;
	[tilespmem:$0x1F078] =	vst v63  }
0x50: {  	s5 =	simm.s32 $0x13CE0;
	s8 =	stileid.u32;
	s23 =	rddreg [dreg:$0xe]  }
0x51: {  	[tilespmem:s10], [sflag:$0x5] =	stream.indirect.gather [hbm4b:s1+s26], $0x80, s5, s26, $0xb8;
	[tilespmem:$0x1F078] =	vst v63  }
0x52: {  	s24 =	sshrl.u32 s23, $0x3;
	s25 =	rddreg [dreg:$0x6];
	s10 =	sshll.u32 s8, $0x6  }
0x53: {  	[dreg:$0x17] =	wrdreg s24;
	s2 =	sor.u32 $0x1C0B, s10  }
0x54: {  	[dreg:$0x16] =	wrdreg s2  }
0x55: {  	[spmem:s24], [sflag:s2] =	dma.local [hbm:s25], $0x2780  }
0x56: {  	_ =	swait.ge [sflag:s11], $0x2780  }
0x57: {  	[sflag:s11] =	ssyncset.done $0x0  }
0x58: {  	[sflag:s11] =	ssyncadd.s32 $0xFFFFD880  }
0x59: {  	[bflag:$0x0] =	sbarrier.arrive $0xFFFF  }
0x5a: {  	s5 =	rddreg [dreg:$0x14]  }
0x5b: {  	s2 =	rddreg [dreg:$0x13]  }
0x5c: {  	s23 =	rddreg [dreg:$0x12]  }
0x5d: {  	s30 =	simm.s32 $0x0;
	s24 =	simm.s32 $0x13DF8;
	s25 =	rddreg [dreg:$0x11]  }
.LBB2_2:
0x5e: {  	_ =	swait.ge [sflag:s12], $0x1C00  }
0x5f: {  	[sflag:s12] =	ssyncset.done $0x0  }
0x60: {  	[sflag:s12] =	ssyncadd.s32 $0xFFFFE400  }
0x61: {  	_ =	swait.ge [sflag:s13], $0x38  }
0x62: {  	p1 =	seq.s32 s30, $0x2648;
	[sflag:s13] =	ssyncset.done $0x0  }
.Ltmp2:
0x63: {  	[sflag:s13] =	ssyncadd.s32 $0xFFFFFFC8;
	(pc) =	sbr.rel @!p1 .LBB2_3-.Ltmp2, $4  }
0x64: {  	[spmem:s4] =	stream.indirect.scatter.add.f32 [tilespmem:s28], [sflag:$0xB], $0x80, s29, s26, $0xb8;
	[tilespmem:$0x1F078] =	vst v63  }
0x65: {  	_ =	swait.ge [sflag:s11], $0x1C00  }
0x66: {  	[sflag:s11] =	ssyncset.done $0x0  }
0x67: {  	[sflag:s11] =	ssyncadd.s32 $0xFFFFE400  }
0x68: {  	_ =	swait.ge [sflag:s14], $0x1C00  }
0x69: {  	[sflag:s14] =	ssyncset.done $0x0  }
0x6a: {  	[sflag:s14] =	ssyncadd.s32 $0xFFFFE400  }
0x6b: {  	_ =	swait.ge [sflag:s15], $0x38  }
0x6c: {  	s0 =	simm.s32 $0x16398;
	[sflag:s15] =	ssyncset.done $0x0  }
.Ltmp3:
0x6d: {  	s3 =	simm.s32 $0x18078;
	[sflag:s15] =	ssyncadd.s32 $0xFFFFFFC8;
	(pc) =	sbr.rel .LBB2_5-.Ltmp3, $4  }
0x6e: {  	[spmem:s4] =	stream.indirect.scatter.add.f32 [tilespmem:s3], [sflag:$0xB], $0x80, s0, s26, $0xb8;
	[tilespmem:$0x1F078] =	vst v63  }
0x6f: {  	_ =	swait.ge [sflag:s11], $0x1C00  }
0x70: {  	[sflag:s11] =	ssyncset.done $0x0  }
0x71: {  	[sflag:s11] =	ssyncadd.s32 $0xFFFFE400  }
.LBB2_3:
0x72: {  	s3 =	sadd.s32 s30, s16  }
0x73: {  	s28 =	sadd.s32 $0x118, s3  }
0x74: {  	p2 =	sgt.u32 s28, $0x4E1C8  }
0x75: {  	p3 =	slt.u32 @p2 s28, $0x4E200  }
0x76: {  	p4 =	por !p3, !p2  }
0x77: {  	s8 =	simm.s32 @!p4 $0x0;
	s29 =	simm.s32 @!p4 $0x16360  }
0x78: {  	[tilespmem:s29], [sflag:$0x6] =	stream.linear.gather @!p4 [hbm4b:s18+s8], $0x10, $0x38;
	[tilespmem:$0x1F078] =	vst v63  }
0x79: {  	p3 =	por p3, !p2;
	s29 =	simm.s32 @!p4 $0x16370  }
0x7a: {  	[tilespmem:s29], [sflag:$0x6] =	stream.linear.gather @!p4 [hbm4b:s6+s8], $0x28, $0x38;
	[tilespmem:$0x1F078] =	vst v63  }
0x7b: {  	s8 =	sadd.s32 @!p3 s30, s16  }
0x7c: {  	s8 =	sadd.s32 @!p3 $0xFFFB1F18, s8  }
0x7d: {  	s8 =	sshrl.u32 @!p3 s8, $0x3  }
0x7e: {  	s0 =	simm.s32 @!p3 $0x16360;
	s29 =	simm.s32 @!p3 $0x0;
	s8 =	sadd.s32 @!p3 s6, s8  }
0x7f: {  	[tilespmem:s0], [sflag:$0x6] =	stream.linear.gather @!p3 [hbm4b:s8+s29], $0x38, $0x38;
	[tilespmem:$0x1F078] =	vst v63  }
0x80: {  	s0 =	sshrl.u32 @!p2 s28, $0x3;
	s8 =	rddreg [dreg:$0x1]  }
0x81: {  	s28 =	simm.s32 @!p2 $0x16360;
	s0 =	sadd.s32 @!p2 s8, s0;
	s8 =	simm.s32 @!p2 $0x0  }
0x82: {  	[tilespmem:s28], [sflag:$0x6] =	stream.linear.gather @!p2 [hbm4b:s0+s8], $0x38, $0x38;
	[tilespmem:$0x1F078] =	vst v63  }
0x83: {  	s7 =	sadd.s32 $0xFFFFFF20, s24;
	s28 =	simm.s32 $0x16478  }
0x84: {  	[tilespmem:s28], [sflag:$0x1] =	stream.indirect.gather [hbm4b:s1+s26], $0x80, s7, s26, $0xb8;
	[tilespmem:$0x1F078] =	vst v63  }
0x85: {  	_ =	swait.ge [sflag:s14], $0x1C00  }
0x86: {  	[sflag:s14] =	ssyncset.done $0x0  }
0x87: {  	[sflag:s14] =	ssyncadd.s32 $0xFFFFE400  }
0x88: {  	_ =	swait.ge [sflag:s15], $0x38  }
0x89: {  	s8 =	simm.s32 $0x16398;
	s0 =	sadd.s32 $0x150, s3;
	[sflag:s15] =	ssyncset.done $0x0  }
0x8a: {  	p2 =	sgt.u32 s0, $0x4E1C8;
	s7 =	simm.s32 $0x18078;
	[sflag:s15] =	ssyncadd.s32 $0xFFFFFFC8  }
0x8b: {  	[spmem:s4] =	stream.indirect.scatter.add.f32 [tilespmem:s7], [sflag:$0xB], $0x80, s8, s26, $0xb8;
	[tilespmem:$0x1F078] =	vst v63  }
0x8c: {  	p3 =	slt.u32 @p2 s0, $0x4E200;
	_ =	swait.ge [sflag:s11], $0x1C00  }
0x8d: {  	p4 =	por !p3, !p2;
	[sflag:s11] =	ssyncset.done $0x0  }
0x8e: {  	s0 =	simm.s32 @!p4 $0x0;
	s3 =	simm.s32 @!p4 $0x16398;
	[sflag:s11] =	ssyncadd.s32 $0xFFFFE400  }
0x8f: {  	[tilespmem:s3], [sflag:$0x7] =	stream.linear.gather @!p4 [hbm4b:s18+s0], $0x10, $0x38;
	[tilespmem:$0x1F078] =	vst v63  }
0x90: {  	p3 =	por p3, !p2;
	s3 =	simm.s32 @!p4 $0x163A8  }
0x91: {  	[tilespmem:s3], [sflag:$0x7] =	stream.linear.gather @!p4 [hbm4b:s6+s0], $0x28, $0x38;
	[tilespmem:$0x1F078] =	vst v63  }
0x92: {  	s0 =	sadd.s32 @!p3 s30, s16  }
0x93: {  	s0 =	sadd.s32 @!p3 $0xFFFB1F50, s0  }
0x94: {  	s0 =	sshrl.u32 @!p3 s0, $0x3  }
0x95: {  	s8 =	simm.s32 @!p3 $0x16398;
	s3 =	simm.s32 @!p3 $0x0;
	s0 =	sadd.s32 @!p3 s6, s0  }
0x96: {  	[tilespmem:s8], [sflag:$0x7] =	stream.linear.gather @!p3 [hbm4b:s0+s3], $0x38, $0x38;
	[tilespmem:$0x1F078] =	vst v63  }
0x97: {  	s0 =	simm.s32 @!p2 $0x0;
	s3 =	simm.s32 @!p2 $0x16398  }
0x98: {  	[tilespmem:s3], [sflag:$0x7] =	stream.linear.gather @!p2 [hbm4b:s5+s0], $0x38, $0x38;
	[tilespmem:$0x1F078] =	vst v63  }
0x99: {  	s10 =	sadd.s32 $0xFFFFFF58, s24  }
0x9a: {  	[tilespmem:s7], [sflag:$0x2] =	stream.indirect.gather [hbm4b:s1+s26], $0x80, s10, s26, $0xb8;
	[tilespmem:$0x1F078] =	vst v63  }
0x9b: {  	s29 =	simm.s32 $0x16360;
	s7 =	simm.s32 $0x163D0  }
.LBB2_5:
0x9c: {  	_ =	swait.ge [sflag:s17], $0x1C00  }
0x9d: {  	[sflag:s17] =	ssyncset.done $0x0  }
0x9e: {  	[sflag:s17] =	ssyncadd.s32 $0xFFFFE400  }
0x9f: {  	_ =	swait.ge [sflag:s19], $0x38  }
0xa0: {  	[sflag:s19] =	ssyncset.done $0x0  }
.Ltmp4:
0xa1: {  	s10 =	simm.s32 $0x19C78;
	[sflag:s19] =	ssyncadd.s32 $0xFFFFFFC8;
	(pc) =	sbr.rel @!p1 .LBB2_6-.Ltmp4, $4  }
0xa2: {  	[spmem:s4] =	stream.indirect.scatter.add.f32 [tilespmem:s10], [sflag:$0xB], $0x80, s7, s26, $0xb8;
	[tilespmem:$0x1F078] =	vst v63  }
0xa3: {  	_ =	swait.ge [sflag:s11], $0x1C00  }
0xa4: {  	[sflag:s11] =	ssyncset.done $0x0  }
0xa5: {  	[sflag:s11] =	ssyncadd.s32 $0xFFFFE400  }
0xa6: {  	_ =	swait.ge [sflag:s20], $0x1C00  }
0xa7: {  	[sflag:s20] =	ssyncset.done $0x0  }
0xa8: {  	[sflag:s20] =	ssyncadd.s32 $0xFFFFE400  }
0xa9: {  	_ =	swait.ge [sflag:s21], $0x38  }
0xaa: {  	[sflag:s21] =	ssyncset.done $0x0  }
.Ltmp5:
0xab: {  	s0 =	simm.s32 $0x16408;
	[sflag:s21] =	ssyncadd.s32 $0xFFFFFFC8;
	(pc) =	sbr.rel .LBB2_8-.Ltmp5, $4  }
0xac: {  	[spmem:s4] =	stream.indirect.scatter.add.f32 [tilespmem:s31], [sflag:$0xB], $0x80, s0, s26, $0xb8;
	[tilespmem:$0x1F078] =	vst v63  }
0xad: {  	_ =	swait.ge [sflag:s11], $0x1C00  }
0xae: {  	[sflag:s11] =	ssyncset.done $0x0  }
0xaf: {  	[sflag:s11] =	ssyncadd.s32 $0xFFFFE400  }
.LBB2_6:
0xb0: {  	s0 =	sadd.s32 s30, s16  }
0xb1: {  	s3 =	sadd.s32 $0x188, s0  }
0xb2: {  	p2 =	sgt.u32 s3, $0x4E1C8  }
0xb3: {  	p3 =	slt.u32 @p2 s3, $0x4E200  }
0xb4: {  	p4 =	por !p3, !p2  }
0xb5: {  	s3 =	simm.s32 @!p4 $0x0;
	s8 =	simm.s32 @!p4 $0x163D0  }
0xb6: {  	[tilespmem:s8], [sflag:$0x8] =	stream.linear.gather @!p4 [hbm4b:s18+s3], $0x10, $0x38;
	[tilespmem:$0x1F078] =	vst v63  }
0xb7: {  	p3 =	por p3, !p2;
	s8 =	simm.s32 @!p4 $0x163E0  }
0xb8: {  	[tilespmem:s8], [sflag:$0x8] =	stream.linear.gather @!p4 [hbm4b:s6+s3], $0x28, $0x38;
	[tilespmem:$0x1F078] =	vst v63  }
0xb9: {  	s3 =	sadd.s32 @!p3 s30, s16  }
0xba: {  	s3 =	sadd.s32 @!p3 $0xFFFB1F88, s3  }
0xbb: {  	s3 =	sshrl.u32 @!p3 s3, $0x3  }
0xbc: {  	s28 =	simm.s32 @!p3 $0x163D0;
	s8 =	simm.s32 @!p3 $0x0;
	s3 =	sadd.s32 @!p3 s6, s3  }
0xbd: {  	[tilespmem:s28], [sflag:$0x8] =	stream.linear.gather @!p3 [hbm4b:s3+s8], $0x38, $0x38;
	[tilespmem:$0x1F078] =	vst v63  }
0xbe: {  	s3 =	simm.s32 @!p2 $0x0;
	s8 =	simm.s32 @!p2 $0x163D0  }
0xbf: {  	[tilespmem:s8], [sflag:$0x8] =	stream.linear.gather @!p2 [hbm4b:s2+s3], $0x38, $0x38;
	[tilespmem:$0x1F078] =	vst v63  }
0xc0: {  	s8 =	sadd.s32 $0xFFFFFF90, s24  }
0xc1: {  	[tilespmem:s10], [sflag:$0x3] =	stream.indirect.gather [hbm4b:s1+s26], $0x80, s8, s26, $0xb8;
	[tilespmem:$0x1F078] =	vst v63  }
0xc2: {  	_ =	swait.ge [sflag:s20], $0x1C00  }
0xc3: {  	[sflag:s20] =	ssyncset.done $0x0  }
0xc4: {  	[sflag:s20] =	ssyncadd.s32 $0xFFFFE400  }
0xc5: {  	s0 =	sadd.s32 $0x1C0, s0;
	_ =	swait.ge [sflag:s21], $0x38  }
0xc6: {  	p2 =	sgt.u32 s0, $0x4E1C8;
	[sflag:s21] =	ssyncset.done $0x0  }
0xc7: {  	s8 =	simm.s32 $0x16408;
	s10 =	simm.s32 $0x1B878;
	[sflag:s21] =	ssyncadd.s32 $0xFFFFFFC8  }
0xc8: {  	[spmem:s4] =	stream.indirect.scatter.add.f32 [tilespmem:s10], [sflag:$0xB], $0x80, s8, s26, $0xb8;
	[tilespmem:$0x1F078] =	vst v63  }
0xc9: {  	p3 =	slt.u32 @p2 s0, $0x4E200;
	_ =	swait.ge [sflag:s11], $0x1C00  }
0xca: {  	p4 =	por !p3, !p2;
	[sflag:s11] =	ssyncset.done $0x0  }
0xcb: {  	s0 =	simm.s32 @!p4 $0x0;
	s3 =	simm.s32 @!p4 $0x16408;
	[sflag:s11] =	ssyncadd.s32 $0xFFFFE400  }
0xcc: {  	[tilespmem:s3], [sflag:$0x9] =	stream.linear.gather @!p4 [hbm4b:s18+s0], $0x10, $0x38;
	[tilespmem:$0x1F078] =	vst v63  }
0xcd: {  	p3 =	por p3, !p2;
	s3 =	simm.s32 @!p4 $0x16418  }
0xce: {  	[tilespmem:s3], [sflag:$0x9] =	stream.linear.gather @!p4 [hbm4b:s6+s0], $0x28, $0x38;
	[tilespmem:$0x1F078] =	vst v63  }
0xcf: {  	s0 =	sadd.s32 @!p3 s30, s16  }
0xd0: {  	s0 =	sadd.s32 @!p3 $0xFFFB1FC0, s0  }
0xd1: {  	s0 =	sshrl.u32 @!p3 s0, $0x3  }
0xd2: {  	s8 =	simm.s32 @!p3 $0x16408;
	s3 =	simm.s32 @!p3 $0x0;
	s0 =	sadd.s32 @!p3 s6, s0  }
0xd3: {  	[tilespmem:s8], [sflag:$0x9] =	stream.linear.gather @!p3 [hbm4b:s0+s3], $0x38, $0x38;
	[tilespmem:$0x1F078] =	vst v63  }
0xd4: {  	s0 =	simm.s32 @!p2 $0x0;
	s3 =	simm.s32 @!p2 $0x16408  }
0xd5: {  	[tilespmem:s3], [sflag:$0x9] =	stream.linear.gather @!p2 [hbm4b:s23+s0], $0x38, $0x38;
	[tilespmem:$0x1F078] =	vst v63  }
0xd6: {  	s31 =	simm.s32 $0x1B878;
	s28 =	simm.s32 $0x16478;
	s8 =	sadd.s32 $0xFFFFFFC8, s24  }
0xd7: {  	[tilespmem:s10], [sflag:$0x4] =	stream.indirect.gather [hbm4b:s1+s26], $0x80, s8, s26, $0xb8;
	[tilespmem:$0x1F078] =	vst v63  }
.LBB2_8:
0xd8: {  	_ =	swait.ge [sflag:s9], $0x1C00  }
0xd9: {  	[sflag:s9] =	ssyncset.done $0x0  }
0xda: {  	[sflag:s9] =	ssyncadd.s32 $0xFFFFE400  }
0xdb: {  	_ =	swait.ge [sflag:s22], $0x38  }
0xdc: {  	s0 =	simm.s32 $0x16440;
	[sflag:s22] =	ssyncset.done $0x0  }
.Ltmp6:
0xdd: {  	s10 =	simm.s32 $0x1D478;
	[sflag:s22] =	ssyncadd.s32 $0xFFFFFFC8;
	(pc) =	sbr.rel @p1 .LBB2_10-.Ltmp6, $4  }
0xde: {  	[spmem:s4] =	stream.indirect.scatter.add.f32 [tilespmem:s10], [sflag:$0xB], $0x80, s0, s26, $0xb8;
	[tilespmem:$0x1F078] =	vst v63  }
0xdf: {  	_ =	swait.ge [sflag:s11], $0x1C00  }
0xe0: {  	[sflag:s11] =	ssyncset.done $0x0  }
0xe1: {  	[sflag:s11] =	ssyncadd.s32 $0xFFFFE400  }
0xe2: {  	s0 =	sadd.s32 s30, s16  }
0xe3: {  	s0 =	sadd.s32 $0x1F8, s0  }
0xe4: {  	p1 =	sgt.u32 s0, $0x4E1C8  }
0xe5: {  	p2 =	slt.u32 @p1 s0, $0x4E200  }
0xe6: {  	p3 =	por !p2, !p1  }
0xe7: {  	s0 =	simm.s32 @!p3 $0x0;
	s3 =	simm.s32 @!p3 $0x16440  }
0xe8: {  	[tilespmem:s3], [sflag:$0xA] =	stream.linear.gather @!p3 [hbm4b:s18+s0], $0x10, $0x38;
	[tilespmem:$0x1F078] =	vst v63  }
0xe9: {  	p2 =	por p2, !p1;
	s3 =	simm.s32 @!p3 $0x16450  }
0xea: {  	[tilespmem:s3], [sflag:$0xA] =	stream.linear.gather @!p3 [hbm4b:s6+s0], $0x28, $0x38;
	[tilespmem:$0x1F078] =	vst v63  }
0xeb: {  	s0 =	sadd.s32 @!p2 s30, s16  }
0xec: {  	s0 =	sadd.s32 @!p2 $0xFFFB1FF8, s0  }
0xed: {  	s0 =	sshrl.u32 @!p2 s0, $0x3  }
0xee: {  	s8 =	simm.s32 @!p2 $0x16440;
	s3 =	simm.s32 @!p2 $0x0;
	s0 =	sadd.s32 @!p2 s6, s0  }
0xef: {  	[tilespmem:s8], [sflag:$0xA] =	stream.linear.gather @!p2 [hbm4b:s0+s3], $0x38, $0x38;
	[tilespmem:$0x1F078] =	vst v63  }
.Ltmp7:
0xf0: {  	s0 =	simm.s32 @!p1 $0x0;
	s3 =	simm.s32 @!p1 $0x16440;
	(pc) =	sbr.rel .LBB2_2-.Ltmp7, $4  }
0xf1: {  	[tilespmem:s3], [sflag:$0xA] =	stream.linear.gather @!p1 [hbm4b:s25+s0], $0x38, $0x38;
	[tilespmem:$0x1F078] =	vst v63  }
0xf2: {  	s23 =	sadd.s32 $0x23, s23;
	s2 =	sadd.s32 $0x23, s2;
	s5 =	sadd.s32 $0x23, s5  }
0xf3: {  	[tilespmem:s10], [sflag:$0x5] =	stream.indirect.gather [hbm4b:s1+s26], $0x80, s24, s26, $0xb8;
	[tilespmem:$0x1F078] =	vst v63  }
0xf4: {  	s30 =	sadd.s32 $0x118, s30;
	s25 =	sadd.s32 $0x23, s25;
	s24 =	sadd.s32 $0x118, s24  }
.LBB2_11:
0xf5: {  	_ =	sfence.sel $0x180000  }
0xf6: {  	[bflag:$0x0] =	sbarrier.arrive $0xFFFF  }
0xf7: {  	_ =	strace $0x90000047  }
0xf8: {  	s0 =	stileid.u32;
	[bflag:$0x2] =	sbarrier.arrive $0xFFFF  }
0xf9: {  	p0 =	sne.s32 s0, $0x0;
	s0 =	rddreg [dreg:$0x4]  }
0xfa: {  	s0 =	sadd.s32 @!p0 $0x100000, s0  }
0xfb: {  	[sflag:s0] =	ssyncadd.tile.s32 @!p0 $0x1;
	_ =	shalt  }
.Lfunc_end2:
_tile_overlayer_lowered:
.L_overlay_start_2:
0xfc: {  	(tag) =	ssettag $0x2  }
0xfd: {  	s0 =	rddreg [dreg:$0x0];
	s2 =	stileid.u32  }
0xfe: {  	s1 =	rddreg [dreg:$0x1];
	p0 =	sne.s32 s2, $0x0  }
0xff: {  	s3 =	rddreg [dreg:$0x2];
	[bflag:$0x3] =	sbarrier.arrive $0xFFFF;
	s2 =	simm.s32 @!p0 $0x1C0B  }
0x100: {  	[timem:s3], [sflag:s2] =	dma.local @!p0 [hbm:s0], s1  }
0x101: {  	s0 =	simm.s32 @!p0 $0xB  }
0x102: {  	_ =	swait.ge @!p0 [sflag:s0], s1  }
0x103: {  	s1 =	ssub.s32 @!p0 $0x0, s1;
	[sflag:s0] =	ssyncset.done @!p0 $0x0  }
0x104: {  	[sflag:s0] =	ssyncadd.s32 @!p0 s1  }
0x105: {  	[bflag:$0x3] =	sbarrier.arrive $0xFFFF  }
0x106: {  	_ =	shalt  }

</sc_bundles>
